<compile_context>
chip_gen: v7x
topology: tpu7x:2x2x1
jax: 0.10.2.dev20260603
libtpu: 0.0.44.dev20260713+nightly
codegen_flags: <defaults>
</compile_context>

<pallas_src>
import functools

import jax
import jax.numpy as jnp
from jax import lax
from jax.experimental import pallas as pl
from jax.experimental.pallas import tpu as pltpu
from jax.experimental.pallas import tpu_sc as plsc

N = 10000
D = 128
E = 320000

NC = 2
NS = 16
NW = NC * NS
C = 128
CB = 40
BLKS = 2
CHUNKS = CB * BLKS
E_PAD = CHUNKS * NW * C
N_ACC = 10112
ZROWS = 632
DEGW = 128
DEGO = 128

_mesh = functools.partial(
    plsc.VectorSubcoreMesh,
    core_axis_name="c", subcore_axis_name="s",
    num_cores=NC, num_subcores=NS,
)


ZBR = 40


def _zero_acc(zbuf, acc, sid, width):
    zero16 = jnp.zeros((16,), dtype=jnp.float32)

    def fill(i, _):
        zbuf[i // (width // 16), pl.ds((i % (width // 16)) * 16, 16)] = zero16
        return 0
    lax.fori_loop(0, ZBR * (width // 16), fill, 0)

    def zcopy(q, _):
        pltpu.sync_copy(zbuf, acc.at[pl.ds(sid * ZROWS + q * ZBR, ZBR)])
        return 0
    lax.fori_loop(0, ZROWS // ZBR, zcopy, 0)
    pltpu.sync_copy(zbuf.at[pl.ds(0, ZROWS - ZBR * (ZROWS // ZBR))],
                    acc.at[pl.ds(sid * ZROWS + ZBR * (ZROWS // ZBR),
                                 ZROWS - ZBR * (ZROWS // ZBR))])


def _sc_deg_body(dst_ref, degp_ref, didx_b, ones_v, zbuf, acc, sem):
    cid = lax.axis_index("c")
    sid = lax.axis_index("s")
    wid = cid * NS + sid
    one16 = jnp.full((16,), 1.0, dtype=jnp.float32)

    def fillo(i, _):
        ones_v[i // (DEGW // 16), pl.ds((i % (DEGW // 16)) * 16, 16)] = one16
        return 0
    lax.fori_loop(0, C * (DEGW // 16), fillo, 0)
    _zero_acc(zbuf, acc, sid, DEGW)
    plsc.subcore_barrier()

    def block(b, _):
        base = wid * CHUNKS + b * CB
        pltpu.sync_copy(dst_ref.at[pl.ds(base, CB)], didx_b)

        def fire(k, _):
            pltpu.async_copy(ones_v, acc.at[didx_b.at[k]], sem, add=True)
            return 0
        lax.fori_loop(0, CB, fire, 0)

        def drain(k, _):
            pltpu.make_async_copy(ones_v, acc.at[didx_b.at[k]], sem).wait()
            return 0
        lax.fori_loop(0, CB, drain, 0)
        return 0
    lax.fori_loop(0, BLKS, block, 0)
    plsc.subcore_barrier()

    pltpu.sync_copy(acc.at[pl.ds(sid * ZROWS, ZROWS)],
                    degp_ref.at[cid, pl.ds(sid * ZROWS, ZROWS)])


_sc_deg = pl.kernel(
    _sc_deg_body,
    out_type=jax.ShapeDtypeStruct((NC, N_ACC, DEGO), jnp.float32),
    mesh=_mesh(),
    scratch_types=[
        pltpu.VMEM((CB, C), jnp.int32),
        pltpu.VMEM((C, DEGW), jnp.float32),
        pltpu.VMEM((ZBR, DEGW), jnp.float32),
        pltpu.VMEM_SHARED((N_ACC, DEGW), jnp.float32),
        pltpu.SemaphoreType.DMA,
    ],
)


def _sc_scatter_body(src_ref, dst_ref, hp_ref, sp_ref,
                     sidx_b, didx_b, rows_a, rows_b, zbuf, acc,
                     sem_a, sem_b):
    cid = lax.axis_index("c")
    sid = lax.axis_index("s")
    wid = cid * NS + sid
    _zero_acc(zbuf, acc, sid, D)
    plsc.subcore_barrier()

    def gather(k, rbuf, s):
        pltpu.async_copy(hp_ref.at[sidx_b.at[k]], rbuf, s)

    def scat(k, rbuf, s):
        pltpu.make_async_copy(hp_ref.at[sidx_b.at[k]], rbuf, s).wait()
        pltpu.sync_copy(rbuf, acc.at[didx_b.at[k]], add=True)

    def block(b, _):
        base = wid * CHUNKS + b * CB
        pltpu.sync_copy(src_ref.at[pl.ds(base, CB)], sidx_b)
        pltpu.sync_copy(dst_ref.at[pl.ds(base, CB)], didx_b)
        gather(0, rows_a, sem_a)

        def pair(jj, _):
            gather(2 * jj + 1, rows_b, sem_b)
            scat(2 * jj, rows_a, sem_a)
            gather(2 * jj + 2, rows_a, sem_a)
            scat(2 * jj + 1, rows_b, sem_b)
            return 0
        lax.fori_loop(0, CB // 2 - 1, pair, 0)
        gather(CB - 1, rows_b, sem_b)
        scat(CB - 2, rows_a, sem_a)
        scat(CB - 1, rows_b, sem_b)
        return 0
    lax.fori_loop(0, BLKS, block, 0)
    plsc.subcore_barrier()

    pltpu.sync_copy(acc.at[pl.ds(sid * ZROWS, ZROWS)],
                    sp_ref.at[cid, pl.ds(sid * ZROWS, ZROWS)])


_sc_scatter = pl.kernel(
    _sc_scatter_body,
    out_type=jax.ShapeDtypeStruct((NC, N_ACC, D), jnp.float32),
    mesh=_mesh(),
    scratch_types=[
        pltpu.VMEM((CB, C), jnp.int32),
        pltpu.VMEM((CB, C), jnp.int32),
        pltpu.VMEM((C, D), jnp.float32),
        pltpu.VMEM((C, D), jnp.float32),
        pltpu.VMEM((ZBR, D), jnp.float32),
        pltpu.VMEM_SHARED((N_ACC, D), jnp.float32),
        pltpu.SemaphoreType.DMA,
        pltpu.SemaphoreType.DMA,
    ],
)

_BLK = 1000
_GRID = N // _BLK


def _tc_h_body(x_ref, w_ref, h_ref):
    h_ref[...] = jnp.dot(x_ref[...], w_ref[...],
                         preferred_element_type=jnp.float32)


def _tc_h(x, W):
    return pl.pallas_call(
        _tc_h_body,
        grid=(_GRID,),
        in_specs=[
            pl.BlockSpec((_BLK, D), lambda i: (i, 0)),
            pl.BlockSpec((D, D), lambda i: (0, 0)),
        ],
        out_specs=pl.BlockSpec((_BLK, D), lambda i: (i, 0)),
        out_shape=jax.ShapeDtypeStruct((N, D), jnp.float32),
    )(x, W)


def _tc_hp_body(h_ref, degp_ref, hp_ref):
    deg = 1.0 + degp_ref[0, :, 0:1] + degp_ref[1, :, 0:1]
    dinv = lax.rsqrt(deg)
    hp_ref[...] = h_ref[...] * dinv


def _tc_hp(h, degp):
    return pl.pallas_call(
        _tc_hp_body,
        grid=(_GRID,),
        in_specs=[
            pl.BlockSpec((_BLK, D), lambda i: (i, 0)),
            pl.BlockSpec((NC, _BLK, DEGO), lambda i: (0, i, 0)),
        ],
        out_specs=pl.BlockSpec((_BLK, D), lambda i: (i, 0)),
        out_shape=jax.ShapeDtypeStruct((N, D), jnp.float32),
    )(h, degp)


def _tc_gru_body(sp_ref, degp_ref, hp_ref, xp_ref, wih_ref, whh_ref,
                 bih_ref, bhh_ref, b_ref, out_ref):
    deg = 1.0 + degp_ref[0, :, 0:1] + degp_ref[1, :, 0:1]
    dinv = lax.rsqrt(deg)
    S = sp_ref[0] + sp_ref[1]
    hp = hp_ref[...]
    gcn = dinv * (S + hp) + b_ref[...]
    xp = xp_ref[...]
    gi = jnp.dot(gcn, wih_ref[...], preferred_element_type=jnp.float32) + bih_ref[...]
    gh = jnp.dot(xp, whh_ref[...], preferred_element_type=jnp.float32) + bhh_ref[...]
    r = jax.nn.sigmoid(gi[:, :D] + gh[:, :D])
    z = jax.nn.sigmoid(gi[:, D:2 * D] + gh[:, D:2 * D])
    n = jnp.tanh(gi[:, 2 * D:] + r * gh[:, 2 * D:])
    out_ref[...] = (1.0 - z) * n + z * xp


def _tc_gru(sp, degp, hp, x_prev, W_ih_T, W_hh_T, b_ih, b_hh, b):
    return pl.pallas_call(
        _tc_gru_body,
        grid=(_GRID,),
        in_specs=[
            pl.BlockSpec((NC, _BLK, D), lambda i: (0, i, 0)),
            pl.BlockSpec((NC, _BLK, DEGO), lambda i: (0, i, 0)),
            pl.BlockSpec((_BLK, D), lambda i: (i, 0)),
            pl.BlockSpec((_BLK, D), lambda i: (i, 0)),
            pl.BlockSpec((D, 3 * D), lambda i: (0, 0)),
            pl.BlockSpec((D, 3 * D), lambda i: (0, 0)),
            pl.BlockSpec((1, 3 * D), lambda i: (0, 0)),
            pl.BlockSpec((1, 3 * D), lambda i: (0, 0)),
            pl.BlockSpec((1, D), lambda i: (0, 0)),
        ],
        out_specs=pl.BlockSpec((_BLK, D), lambda i: (i, 0)),
        out_shape=jax.ShapeDtypeStruct((N, D), jnp.float32),
    )(sp, degp, hp, x_prev, W_ih_T, W_hh_T, b_ih, b_hh, b)


def kernel(x, edge_index, x_prev, W, b, W_ih, W_hh, b_ih, b_hh):
    src = edge_index[0].astype(jnp.int32)
    dst = edge_index[1].astype(jnp.int32)
    pad = jnp.arange(E_PAD - E, dtype=jnp.int32)
    src = jnp.concatenate([src, (pad * 997) % N])
    dst = jnp.concatenate([dst, N + pad % (N_ACC - N)])
    src2d = src.reshape(E_PAD // C, C)
    dst2d = dst.reshape(E_PAD // C, C)

    h = _tc_h(x, W)
    degp = _sc_deg(dst2d)
    hp = _tc_hp(h, degp)
    sp = _sc_scatter(src2d, dst2d, hp)
    return _tc_gru(sp, degp, hp, x_prev,
                   W_ih.T, W_hh.T,
                   b_ih.reshape(1, 3 * D), b_hh.reshape(1, 3 * D),
                   b.reshape(1, D))

# --- scband reference (transcript-rebuilt; emitter-appended) ---
"""Pipeline reference for scband-dynamic-gcnlayer-47330539602429 (READ-ONLY COPY).

The authoritative reference and input builder live on the scoring server;
editing this copy changes nothing except your own understanding.
"""

import jax, jax.numpy as jnp
import numpy as np

N_NODES = 10000
D = 128
N_EDGES = 320000

def setup_inputs(seed: int = 0) -> dict:
    key = jax.random.key(seed)
    ks = jax.random.split(key, 10)
    x = jax.random.normal(ks[0], (N_NODES, D), dtype=jnp.float32)
    edge_index = jax.random.randint(ks[1], (2, N_EDGES), 0, N_NODES, dtype=jnp.int64)
    x_prev = jax.random.normal(ks[2], (N_NODES, D), dtype=jnp.float32)
    # GCNConv params
    W = jax.random.normal(ks[3], (D, D), dtype=jnp.float32) * (1.0 / np.sqrt(D))
    b = jnp.zeros((D,), dtype=jnp.float32)
    # GRUCell params (PyTorch layout: [3*hidden, input])
    W_ih = jax.random.normal(ks[4], (3 * D, D), dtype=jnp.float32) * (1.0 / np.sqrt(D))
    W_hh = jax.random.normal(ks[5], (3 * D, D), dtype=jnp.float32) * (1.0 / np.sqrt(D))
    b_ih = jax.random.normal(ks[6], (3 * D,), dtype=jnp.float32) * (1.0 / np.sqrt(D))
    b_hh = jax.random.normal(ks[7], (3 * D,), dtype=jnp.float32) * (1.0 / np.sqrt(D))
    return {"x": x, "edge_index": edge_index, "x_prev": x_prev, "W": W, "b": b,
            "W_ih": W_ih, "W_hh": W_hh, "b_ih": b_ih, "b_hh": b_hh}

def _gcn_conv(x, edge_index, W, b):
    N = x.shape[0]
    loop = jnp.arange(N, dtype=edge_index.dtype)
    src = jnp.concatenate([edge_index[0], loop])
    dst = jnp.concatenate([edge_index[1], loop])
    deg = jax.ops.segment_sum(jnp.ones_like(dst, dtype=jnp.float32), dst, num_segments=N)
    dinv = jnp.where(deg > 0, 1.0 / jnp.sqrt(deg), 0.0)
    norm = dinv[src] * dinv[dst]
    h = x @ W  # linear transform
    msg = h[src] * norm[:, None]
    out = jax.ops.segment_sum(msg, dst, num_segments=N)
    return out + b

def _gru_cell(inp, h, W_ih, W_hh, b_ih, b_hh):
    D = h.shape[1]
    gi = inp @ W_ih.T + b_ih
    gh = h @ W_hh.T + b_hh
    i_r, i_z, i_n = gi[:, :D], gi[:, D:2 * D], gi[:, 2 * D:]
    h_r, h_z, h_n = gh[:, :D], gh[:, D:2 * D], gh[:, 2 * D:]
    r = jax.nn.sigmoid(i_r + h_r)
    z = jax.nn.sigmoid(i_z + h_z)
    n = jnp.tanh(i_n + r * h_n)
    return (1.0 - z) * n + z * h

def reference(x, edge_index, x_prev, W, b, W_ih, W_hh, b_ih, b_hh):
    H_l_current = _gcn_conv(x, edge_index, W, b)
    H_l_updated = _gru_cell(H_l_current, x_prev, W_ih, W_hh, b_ih, b_hh)
    return H_l_updated

if __name__ == "__main__":
    import jax
    _d = setup_inputs()
    print(jax.jit(kernel)(*tuple(_d.values())))

</pallas_src>

<mosaic_0001>
#map = affine_map<(d0, d1) -> (0, 0)>
#map1 = affine_map<(d0, d1) -> (0, 0, 0)>
module attributes {stable_mosaic.version = 14 : i64} {
  func.func @_sc_deg_body(%arg0: i32, %arg1: i32, %arg2: memref<2560x128xi32, #tpu.memory_space<hbm>>, %arg3: memref<2x10112x128xf32, #tpu.memory_space<hbm>>, %arg4: memref<40x128xi32, #tpu.memory_space<vmem>>, %arg5: memref<128x128xf32, #tpu.memory_space<vmem>>, %arg6: memref<40x128xf32, #tpu.memory_space<vmem>>, %arg7: memref<10112x128xf32, #tpu.memory_space<vmem_shared>>, %arg8: memref<!tpu.dma_semaphore, #tpu.memory_space<semaphore_mem>>) attributes {dimension_semantics = [#tpu.dimension_semantics<core_parallel>, #tpu.dimension_semantics<subcore_parallel>], iteration_bounds = array<i64: 2, 16>, scalar_prefetch = 0 : i64, scratch_operands = 5 : i64, tpu.core_type = #tpu.core_type<sc_vector_subcore>, window_params = [{transform_indices = #map}, {transform_indices = #map1}]} {
    %mul3A = arith.constant 16 : i32
    %mul3A_0 = arith.muli %arg0, %mul3A : i32
    %add3A = arith.addi %mul3A_0, %arg1 : i32
    %broadcast_in_dim3A = arith.constant 1.000000e+00 : f32
    %broadcast_in_dim3A_1 = vector.broadcast %broadcast_in_dim3A : f32 to vector<16xf32>
    %scan3A = arith.constant 0 : i32
    %scan3A_2 = arith.constant 0 : i32
    %scan3A_3 = arith.constant 1024 : i32
    %scan3A_4 = arith.addi %scan3A_2, %scan3A_3 : i32
    %scan3A_5 = arith.constant 1 : i32
    %scan3A_6 = scf.for %scan3A_40 = %scan3A_2 to %scan3A_4 step %scan3A_5 iter_args(%scan3A_41 = %scan3A) -> (i32)  : i32 {
      %jit3A = arith.constant 8 : i32
      %div3A = arith.divsi %scan3A_40, %jit3A : i32
      %sign3A = arith.constant 0 : i32
      %sign3A_42 = arith.cmpi sgt, %scan3A_40, %sign3A : i32
      %sign3A_43 = arith.extui %sign3A_42 : i1 to i32
      %sign3A_44 = arith.constant 0 : i32
      %sign3A_45 = arith.cmpi slt, %scan3A_40, %sign3A_44 : i32
      %sign3A_46 = arith.extui %sign3A_45 : i1 to i32
      %sign3A_47 = arith.subi %sign3A_43, %sign3A_46 : i32
      %sign3A_48 = arith.constant 0 : i32
      %sign3A_49 = arith.cmpi sgt, %jit3A, %sign3A_48 : i32
      %sign3A_50 = arith.extui %sign3A_49 : i1 to i32
      %sign3A_51 = arith.constant 0 : i32
      %sign3A_52 = arith.cmpi slt, %jit3A, %sign3A_51 : i32
      %sign3A_53 = arith.extui %sign3A_52 : i1 to i32
      %sign3A_54 = arith.subi %sign3A_50, %sign3A_53 : i32
      %ne3A = arith.cmpi ne, %sign3A_47, %sign3A_54 : i32
      %rem3A = arith.remsi %scan3A_40, %jit3A : i32
      %ne3A_55 = arith.constant 0 : i32
      %ne3A_56 = arith.cmpi ne, %rem3A, %ne3A_55 : i32
      %and3A = arith.andi %ne3A, %ne3A_56 : i1
      %sub3A = arith.constant 1 : i32
      %sub3A_57 = arith.subi %div3A, %sub3A : i32
      %select_n3A = arith.select %and3A, %sub3A_57, %div3A : i32
      %jit3A_58 = arith.constant 8 : i32
      %eq3A = arith.constant 0 : i32
      %eq3A_59 = arith.cmpi eq, %jit3A_58, %eq3A : i32
      %jit3A_60 = arith.constant 1 : i32
      %select_n3A_61 = arith.select %eq3A_59, %jit3A_60, %jit3A_58 : i32
      %rem3A_62 = arith.remsi %scan3A_40, %select_n3A_61 : i32
      %ne3A_63 = arith.constant 0 : i32
      %ne3A_64 = arith.cmpi ne, %rem3A_62, %ne3A_63 : i32
      %lt3A = arith.constant 0 : i32
      %lt3A_65 = arith.cmpi slt, %rem3A_62, %lt3A : i32
      %lt3A_66 = arith.constant 0 : i32
      %lt3A_67 = arith.cmpi slt, %select_n3A_61, %lt3A_66 : i32
      %ne3A_68 = arith.xori %lt3A_65, %lt3A_67 : i1
      %and3A_69 = arith.andi %ne3A_68, %ne3A_64 : i1
      %add3A_70 = arith.addi %rem3A_62, %select_n3A_61 : i32
      %select_n3A_71 = arith.select %and3A_69, %add3A_70, %rem3A_62 : i32
      %mul3A_72 = arith.constant 16 : i32
      %mul3A_73 = arith.muli %select_n3A_71, %mul3A_72 : i32
      %swap3A = arith.index_cast %select_n3A : i32 to index
      %swap3A_74 = arith.index_cast %mul3A_73 : i32 to index
      %swap3A_75 = tpu.vector_load %arg5[%swap3A, %swap3A_74] {strides = array<i32>} : memref<128x128xf32, #tpu.memory_space<vmem>>, vector<1x16xf32>,
      %swap3A_76 = vector.shape_cast %swap3A_75 : vector<1x16xf32> to vector<16xf32>
      %swap3A_77 = vector.shape_cast %broadcast_in_dim3A_1 : vector<16xf32> to vector<1x16xf32>
      tpu.vector_store %arg5[%swap3A, %swap3A_74], %swap3A_77 {strides = array<i32>} : memref<128x128xf32, #tpu.memory_space<vmem>>, vector<1x16xf32>,
      %scan3A_78 = arith.constant 0 : i32
      scf.yield %scan3A_78 : i32
    }
    %scan3A_7 = arith.constant 1024 : i32
    %broadcast_in_dim3A_8 = arith.constant 0.000000e+00 : f32
    %broadcast_in_dim3A_9 = vector.broadcast %broadcast_in_dim3A_8 : f32 to vector<16xf32>
    %scan3A_10 = arith.constant 0 : i32
    %scan3A_11 = arith.constant 0 : i32
    %scan3A_12 = arith.constant 320 : i32
    %scan3A_13 = arith.addi %scan3A_11, %scan3A_12 : i32
    %scan3A_14 = arith.constant 1 : i32
    %scan3A_15 = scf.for %scan3A_40 = %scan3A_11 to %scan3A_13 step %scan3A_14 iter_args(%scan3A_41 = %scan3A_10) -> (i32)  : i32 {
      %jit3A = arith.constant 8 : i32
      %div3A = arith.divsi %scan3A_40, %jit3A : i32
      %sign3A = arith.constant 0 : i32
      %sign3A_42 = arith.cmpi sgt, %scan3A_40, %sign3A : i32
      %sign3A_43 = arith.extui %sign3A_42 : i1 to i32
      %sign3A_44 = arith.constant 0 : i32
      %sign3A_45 = arith.cmpi slt, %scan3A_40, %sign3A_44 : i32
      %sign3A_46 = arith.extui %sign3A_45 : i1 to i32
      %sign3A_47 = arith.subi %sign3A_43, %sign3A_46 : i32
      %sign3A_48 = arith.constant 0 : i32
      %sign3A_49 = arith.cmpi sgt, %jit3A, %sign3A_48 : i32
      %sign3A_50 = arith.extui %sign3A_49 : i1 to i32
      %sign3A_51 = arith.constant 0 : i32
      %sign3A_52 = arith.cmpi slt, %jit3A, %sign3A_51 : i32
      %sign3A_53 = arith.extui %sign3A_52 : i1 to i32
      %sign3A_54 = arith.subi %sign3A_50, %sign3A_53 : i32
      %ne3A = arith.cmpi ne, %sign3A_47, %sign3A_54 : i32
      %rem3A = arith.remsi %scan3A_40, %jit3A : i32
      %ne3A_55 = arith.constant 0 : i32
      %ne3A_56 = arith.cmpi ne, %rem3A, %ne3A_55 : i32
      %and3A = arith.andi %ne3A, %ne3A_56 : i1
      %sub3A = arith.constant 1 : i32
      %sub3A_57 = arith.subi %div3A, %sub3A : i32
      %select_n3A = arith.select %and3A, %sub3A_57, %div3A : i32
      %jit3A_58 = arith.constant 8 : i32
      %eq3A = arith.constant 0 : i32
      %eq3A_59 = arith.cmpi eq, %jit3A_58, %eq3A : i32
      %jit3A_60 = arith.constant 1 : i32
      %select_n3A_61 = arith.select %eq3A_59, %jit3A_60, %jit3A_58 : i32
      %rem3A_62 = arith.remsi %scan3A_40, %select_n3A_61 : i32
      %ne3A_63 = arith.constant 0 : i32
      %ne3A_64 = arith.cmpi ne, %rem3A_62, %ne3A_63 : i32
      %lt3A = arith.constant 0 : i32
      %lt3A_65 = arith.cmpi slt, %rem3A_62, %lt3A : i32
      %lt3A_66 = arith.constant 0 : i32
      %lt3A_67 = arith.cmpi slt, %select_n3A_61, %lt3A_66 : i32
      %ne3A_68 = arith.xori %lt3A_65, %lt3A_67 : i1
      %and3A_69 = arith.andi %ne3A_68, %ne3A_64 : i1
      %add3A_70 = arith.addi %rem3A_62, %select_n3A_61 : i32
      %select_n3A_71 = arith.select %and3A_69, %add3A_70, %rem3A_62 : i32
      %mul3A_72 = arith.constant 16 : i32
      %mul3A_73 = arith.muli %select_n3A_71, %mul3A_72 : i32
      %swap3A = arith.index_cast %select_n3A : i32 to index
      %swap3A_74 = arith.index_cast %mul3A_73 : i32 to index
      %swap3A_75 = tpu.vector_load %arg6[%swap3A, %swap3A_74] {strides = array<i32>} : memref<40x128xf32, #tpu.memory_space<vmem>>, vector<1x16xf32>,
      %swap3A_76 = vector.shape_cast %swap3A_75 : vector<1x16xf32> to vector<16xf32>
      %swap3A_77 = vector.shape_cast %broadcast_in_dim3A_9 : vector<16xf32> to vector<1x16xf32>
      tpu.vector_store %arg6[%swap3A, %swap3A_74], %swap3A_77 {strides = array<i32>} : memref<40x128xf32, #tpu.memory_space<vmem>>, vector<1x16xf32>,
      %scan3A_78 = arith.constant 0 : i32
      scf.yield %scan3A_78 : i32
    }
    %scan3A_16 = arith.constant 320 : i32
    %scan3A_17 = arith.constant 0 : i32
    %scan3A_18 = arith.constant 0 : i32
    %scan3A_19 = arith.constant 15 : i32
    %scan3A_20 = arith.addi %scan3A_18, %scan3A_19 : i32
    %scan3A_21 = arith.constant 1 : i32
    %scan3A_22 = scf.for %scan3A_40 = %scan3A_18 to %scan3A_20 step %scan3A_21 iter_args(%scan3A_41 = %scan3A_17) -> (i32)  : i32 {
      %mul3A_42 = arith.constant 632 : i32
      %mul3A_43 = arith.muli %arg1, %mul3A_42 : i32
      %mul3A_44 = arith.constant 40 : i32
      %mul3A_45 = arith.muli %scan3A_40, %mul3A_44 : i32
      %add3A_46 = arith.addi %mul3A_43, %mul3A_45 : i32
      "tpu.region"() ({
        %run_scoped3A = tpu.sem_alloc : memref<!tpu.dma_semaphore, #tpu.memory_space<semaphore_mem>>
        %dma_start3A = arith.constant 0 : i32
        %dma_start3A_48 = tpu.memref_slice %arg7[%add3A_46, %dma_start3A] : memref<10112x128xf32, #tpu.memory_space<vmem_shared>> -> memref<40x128xf32, #tpu.memory_space<vmem_shared>>
        %dma_start3A_49 = arith.constant 0 : i32
        %dma_start3A_50 = tpu.memref_slice %arg7[%add3A_46, %dma_start3A_49] : memref<10112x128xf32, #tpu.memory_space<vmem_shared>> -> memref<40x128xf32, #tpu.memory_space<vmem_shared>>
        tpu.enqueue_dma source(%arg6 : memref<40x128xf32, #tpu.memory_space<vmem>>) target(%dma_start3A_50 : memref<40x128xf32, #tpu.memory_space<vmem_shared>>) target_semaphore(%run_scoped3A : memref<!tpu.dma_semaphore, #tpu.memory_space<semaphore_mem>>)
        %dma_wait3A = arith.constant 0 : i32
        %dma_wait3A_51 = tpu.memref_slice %arg7[%add3A_46, %dma_wait3A] : memref<10112x128xf32, #tpu.memory_space<vmem_shared>> -> memref<40x128xf32, #tpu.memory_space<vmem_shared>>
        %dma_wait3A_52 = arith.constant 0 : i32
        %dma_wait3A_53 = tpu.memref_slice %arg7[%add3A_46, %dma_wait3A_52] : memref<10112x128xf32, #tpu.memory_space<vmem_shared>> -> memref<40x128xf32, #tpu.memory_space<vmem_shared>>
        tpu.wait_dma2 semaphore(%run_scoped3A : memref<!tpu.dma_semaphore, #tpu.memory_space<semaphore_mem>>) src(%arg6 : memref<40x128xf32, #tpu.memory_space<vmem>>) dst(%dma_wait3A_53 : memref<40x128xf32, #tpu.memory_space<vmem_shared>>)
        tpu.yield
      }) : () -> ()
      %scan3A_47 = arith.constant 0 : i32
      scf.yield %scan3A_47 : i32
    }
    %scan3A_23 = arith.constant 15 : i32
    %mul3A_24 = arith.constant 632 : i32
    %mul3A_25 = arith.muli %arg1, %mul3A_24 : i32
    %add3A_26 = arith.constant 600 : i32
    %add3A_27 = arith.addi %mul3A_25, %add3A_26 : i32
    "tpu.region"() ({
      %run_scoped3A = tpu.sem_alloc : memref<!tpu.dma_semaphore, #tpu.memory_space<semaphore_mem>>
      %dma_start3A = arith.constant 0 : i32
      %dma_start3A_40 = arith.constant 0 : i32
      %dma_start3A_41 = tpu.memref_slice %arg6[%dma_start3A, %dma_start3A_40] : memref<40x128xf32, #tpu.memory_space<vmem>> -> memref<32x128xf32, #tpu.memory_space<vmem>>
      %dma_start3A_42 = arith.constant 0 : i32
      %dma_start3A_43 = tpu.memref_slice %arg7[%add3A_27, %dma_start3A_42] : memref<10112x128xf32, #tpu.memory_space<vmem_shared>> -> memref<32x128xf32, #tpu.memory_space<vmem_shared>>
      %dma_start3A_44 = arith.constant 0 : i32
      %dma_start3A_45 = tpu.memref_slice %arg7[%add3A_27, %dma_start3A_44] : memref<10112x128xf32, #tpu.memory_space<vmem_shared>> -> memref<32x128xf32, #tpu.memory_space<vmem_shared>>
      %dma_start3A_46 = arith.constant 0 : i32
      %dma_start3A_47 = arith.constant 0 : i32
      %dma_start3A_48 = tpu.memref_slice %arg6[%dma_start3A_46, %dma_start3A_47] : memref<40x128xf32, #tpu.memory_space<vmem>> -> memref<32x128xf32, #tpu.memory_space<vmem>>
      tpu.enqueue_dma source(%dma_start3A_48 : memref<32x128xf32, #tpu.memory_space<vmem>>) target(%dma_start3A_45 : memref<32x128xf32, #tpu.memory_space<vmem_shared>>) target_semaphore(%run_scoped3A : memref<!tpu.dma_semaphore, #tpu.memory_space<semaphore_mem>>)
      %dma_wait3A = arith.constant 0 : i32
      %dma_wait3A_49 = arith.constant 0 : i32
      %dma_wait3A_50 = tpu.memref_slice %arg6[%dma_wait3A, %dma_wait3A_49] : memref<40x128xf32, #tpu.memory_space<vmem>> -> memref<32x128xf32, #tpu.memory_space<vmem>>
      %dma_wait3A_51 = arith.constant 0 : i32
      %dma_wait3A_52 = tpu.memref_slice %arg7[%add3A_27, %dma_wait3A_51] : memref<10112x128xf32, #tpu.memory_space<vmem_shared>> -> memref<32x128xf32, #tpu.memory_space<vmem_shared>>
      %dma_wait3A_53 = arith.constant 0 : i32
      %dma_wait3A_54 = tpu.memref_slice %arg7[%add3A_27, %dma_wait3A_53] : memref<10112x128xf32, #tpu.memory_space<vmem_shared>> -> memref<32x128xf32, #tpu.memory_space<vmem_shared>>
      %dma_wait3A_55 = arith.constant 0 : i32
      %dma_wait3A_56 = arith.constant 0 : i32
      %dma_wait3A_57 = tpu.memref_slice %arg6[%dma_wait3A_55, %dma_wait3A_56] : memref<40x128xf32, #tpu.memory_space<vmem>> -> memref<32x128xf32, #tpu.memory_space<vmem>>
      tpu.wait_dma2 semaphore(%run_scoped3A : memref<!tpu.dma_semaphore, #tpu.memory_space<semaphore_mem>>) src(%dma_wait3A_57 : memref<32x128xf32, #tpu.memory_space<vmem>>) dst(%dma_wait3A_54 : memref<32x128xf32, #tpu.memory_space<vmem_shared>>)
      tpu.yield
    }) : () -> ()
    %barrier3A = arith.constant 0 : index
    tpu.barrier barrier_id(%barrier3A)
    %scan3A_28 = arith.constant 0 : i32
    %scan3A_29 = arith.constant 0 : i32
    %scan3A_30 = arith.constant 2 : i32
    %scan3A_31 = arith.addi %scan3A_29, %scan3A_30 : i32
    %scan3A_32 = arith.constant 1 : i32
    %scan3A_33 = scf.for %scan3A_40 = %scan3A_29 to %scan3A_31 step %scan3A_32 iter_args(%scan3A_41 = %scan3A_28) -> (i32)  : i32 {
      %mul3A_42 = arith.constant 80 : i32
      %mul3A_43 = arith.muli %add3A, %mul3A_42 : i32
      %mul3A_44 = arith.constant 40 : i32
      %mul3A_45 = arith.muli %scan3A_40, %mul3A_44 : i32
      %add3A_46 = arith.addi %mul3A_43, %mul3A_45 : i32
      "tpu.region"() ({
        %run_scoped3A = tpu.sem_alloc : memref<!tpu.dma_semaphore, #tpu.memory_space<semaphore_mem>>
        %dma_start3A = arith.constant 0 : i32
        %dma_start3A_62 = tpu.memref_slice %arg2[%add3A_46, %dma_start3A] : memref<2560x128xi32, #tpu.memory_space<hbm>> -> memref<40x128xi32, #tpu.memory_space<hbm>>
        %dma_start3A_63 = arith.constant 0 : i32
        %dma_start3A_64 = tpu.memref_slice %arg2[%add3A_46, %dma_start3A_63] : memref<2560x128xi32, #tpu.memory_space<hbm>> -> memref<40x128xi32, #tpu.memory_space<hbm>>
        tpu.enqueue_dma source(%dma_start3A_64 : memref<40x128xi32, #tpu.memory_space<hbm>>) target(%arg4 : memref<40x128xi32, #tpu.memory_space<vmem>>) target_semaphore(%run_scoped3A : memref<!tpu.dma_semaphore, #tpu.memory_space<semaphore_mem>>)
        %dma_wait3A = arith.constant 0 : i32
        %dma_wait3A_65 = tpu.memref_slice %arg2[%add3A_46, %dma_wait3A] : memref<2560x128xi32, #tpu.memory_space<hbm>> -> memref<40x128xi32, #tpu.memory_space<hbm>>
        %dma_wait3A_66 = arith.constant 0 : i32
        %dma_wait3A_67 = tpu.memref_slice %arg2[%add3A_46, %dma_wait3A_66] : memref<2560x128xi32, #tpu.memory_space<hbm>> -> memref<40x128xi32, #tpu.memory_space<hbm>>
        tpu.wait_dma2 semaphore(%run_scoped3A : memref<!tpu.dma_semaphore, #tpu.memory_space<semaphore_mem>>) src(%dma_wait3A_67 : memref<40x128xi32, #tpu.memory_space<hbm>>) dst(%arg4 : memref<40x128xi32, #tpu.memory_space<vmem>>)
        tpu.yield
      }) : () -> ()
      %scan3A_47 = arith.constant 0 : i32
      %scan3A_48 = arith.constant 0 : i32
      %scan3A_49 = arith.constant 40 : i32
      %scan3A_50 = arith.addi %scan3A_48, %scan3A_49 : i32
      %scan3A_51 = arith.constant 1 : i32
      %scan3A_52 = scf.for %scan3A_62 = %scan3A_48 to %scan3A_50 step %scan3A_51 iter_args(%scan3A_63 = %scan3A_47) -> (i32)  : i32 {
        %dma_start3A = arith.constant 0 : i32
        %dma_start3A_64 = tpu.memref_slice %arg4[%scan3A_62, %dma_start3A] : memref<40x128xi32, #tpu.memory_space<vmem>> -> memref<1x128xi32, #tpu.memory_space<vmem>>
        %dma_start3A_65 = tpu.memref_squeeze %dma_start3A_64 : memref<1x128xi32, #tpu.memory_space<vmem>> -> memref<128xi32, #tpu.memory_space<vmem>>
        %dma_start3A_66 = arith.constant 0 : i32
        %dma_start3A_67 = arith.constant 0 : i32
        %dma_start3A_68 = tpu.memref_slice %arg7[%dma_start3A_66, %dma_start3A_67] : memref<10112x128xf32, #tpu.memory_space<vmem_shared>> -> memref<10112x128xf32, #tpu.memory_space<vmem_shared>>
        tpu.enqueue_indirect_dma source(%arg5 : memref<128x128xf32, #tpu.memory_space<vmem>>) target(%dma_start3A_68 : memref<10112x128xf32, #tpu.memory_space<vmem_shared>>) offsets(%dma_start3A_65 : memref<128xi32, #tpu.memory_space<vmem>>) semaphore(%arg8 : memref<!tpu.dma_semaphore, #tpu.memory_space<semaphore_mem>>) {add = true}
        %scan3A_69 = arith.constant 0 : i32
        scf.yield %scan3A_69 : i32
      }
      %scan3A_53 = arith.constant 40 : i32
      %scan3A_54 = arith.constant 0 : i32
      %scan3A_55 = arith.constant 0 : i32
      %scan3A_56 = arith.constant 40 : i32
      %scan3A_57 = arith.addi %scan3A_55, %scan3A_56 : i32
      %scan3A_58 = arith.constant 1 : i32
      %scan3A_59 = scf.for %scan3A_62 = %scan3A_55 to %scan3A_57 step %scan3A_58 iter_args(%scan3A_63 = %scan3A_54) -> (i32)  : i32 {
        %dma_wait3A = arith.constant 0 : i32
        %dma_wait3A_64 = tpu.memref_slice %arg4[%scan3A_62, %dma_wait3A] : memref<40x128xi32, #tpu.memory_space<vmem>> -> memref<1x128xi32, #tpu.memory_space<vmem>>
        %dma_wait3A_65 = tpu.memref_squeeze %dma_wait3A_64 : memref<1x128xi32, #tpu.memory_space<vmem>> -> memref<128xi32, #tpu.memory_space<vmem>>
        %dma_wait3A_66 = arith.constant 0 : i32
        %dma_wait3A_67 = arith.constant 0 : i32
        %dma_wait3A_68 = tpu.memref_slice %arg7[%dma_wait3A_66, %dma_wait3A_67] : memref<10112x128xf32, #tpu.memory_space<vmem_shared>> -> memref<10112x128xf32, #tpu.memory_space<vmem_shared>>
        tpu.wait_indirect_dma semaphore(%arg8 : memref<!tpu.dma_semaphore, #tpu.memory_space<semaphore_mem>>) src(%arg5 : memref<128x128xf32, #tpu.memory_space<vmem>>) dst(%dma_wait3A_68 : memref<10112x128xf32, #tpu.memory_space<vmem_shared>>)
        %scan3A_69 = arith.constant 0 : i32
        scf.yield %scan3A_69 : i32
      }
      %scan3A_60 = arith.constant 40 : i32
      %scan3A_61 = arith.constant 0 : i32
      scf.yield %scan3A_61 : i32
    }
    %scan3A_34 = arith.constant 2 : i32
    %barrier3A_35 = arith.constant 0 : index
    tpu.barrier barrier_id(%barrier3A_35)
    %mul3A_36 = arith.constant 632 : i32
    %mul3A_37 = arith.muli %arg1, %mul3A_36 : i32
    %mul3A_38 = arith.constant 632 : i32
    %mul3A_39 = arith.muli %arg1, %mul3A_38 : i32
    "tpu.region"() ({
      %run_scoped3A = tpu.sem_alloc : memref<!tpu.dma_semaphore, #tpu.memory_space<semaphore_mem>>
      %dma_start3A = arith.constant 0 : i32
      %dma_start3A_40 = tpu.memref_slice %arg3[%arg0, %mul3A_39, %dma_start3A] : memref<2x10112x128xf32, #tpu.memory_space<hbm>> -> memref<1x632x128xf32, #tpu.memory_space<hbm>>
      %dma_start3A_41 = tpu.memref_squeeze %dma_start3A_40 : memref<1x632x128xf32, #tpu.memory_space<hbm>> -> memref<632x128xf32, #tpu.memory_space<hbm>>
      %dma_start3A_42 = arith.constant 0 : i32
      %dma_start3A_43 = tpu.memref_slice %arg7[%mul3A_37, %dma_start3A_42] : memref<10112x128xf32, #tpu.memory_space<vmem_shared>> -> memref<632x128xf32, #tpu.memory_space<vmem_shared>>
      tpu.enqueue_dma source(%dma_start3A_43 : memref<632x128xf32, #tpu.memory_space<vmem_shared>>) target(%dma_start3A_41 : memref<632x128xf32, #tpu.memory_space<hbm>>) target_semaphore(%run_scoped3A : memref<!tpu.dma_semaphore, #tpu.memory_space<semaphore_mem>>)
      %dma_wait3A = arith.constant 0 : i32
      %dma_wait3A_44 = tpu.memref_slice %arg3[%arg0, %mul3A_39, %dma_wait3A] : memref<2x10112x128xf32, #tpu.memory_space<hbm>> -> memref<1x632x128xf32, #tpu.memory_space<hbm>>
      %dma_wait3A_45 = tpu.memref_squeeze %dma_wait3A_44 : memref<1x632x128xf32, #tpu.memory_space<hbm>> -> memref<632x128xf32, #tpu.memory_space<hbm>>
      %dma_wait3A_46 = arith.constant 0 : i32
      %dma_wait3A_47 = tpu.memref_slice %arg7[%mul3A_37, %dma_wait3A_46] : memref<10112x128xf32, #tpu.memory_space<vmem_shared>> -> memref<632x128xf32, #tpu.memory_space<vmem_shared>>
      tpu.wait_dma2 semaphore(%run_scoped3A : memref<!tpu.dma_semaphore, #tpu.memory_space<semaphore_mem>>) src(%dma_wait3A_47 : memref<632x128xf32, #tpu.memory_space<vmem_shared>>) dst(%dma_wait3A_45 : memref<632x128xf32, #tpu.memory_space<hbm>>)
      tpu.yield
    }) : () -> ()
    return
  }
}

#map = affine_map<(d0, d1) -> (0, 0)>
#map1 = affine_map<(d0, d1) -> (0, 0, 0)>
module attributes {stable_mosaic.version = 14 : i64} {
  func.func @_sc_scatter_body(%arg0: i32, %arg1: i32, %arg2: memref<2560x128xi32, #tpu.memory_space<hbm>>, %arg3: memref<2560x128xi32, #tpu.memory_space<hbm>>, %arg4: memref<10000x128xf32, #tpu.memory_space<hbm>>, %arg5: memref<2x10112x128xf32, #tpu.memory_space<hbm>>, %arg6: memref<40x128xi32, #tpu.memory_space<vmem>>, %arg7: memref<40x128xi32, #tpu.memory_space<vmem>>, %arg8: memref<128x128xf32, #tpu.memory_space<vmem>>, %arg9: memref<128x128xf32, #tpu.memory_space<vmem>>, %arg10: memref<40x128xf32, #tpu.memory_space<vmem>>, %arg11: memref<10112x128xf32, #tpu.memory_space<vmem_shared>>, %arg12: memref<!tpu.dma_semaphore, #tpu.memory_space<semaphore_mem>>, %arg13: memref<!tpu.dma_semaphore, #tpu.memory_space<semaphore_mem>>) attributes {dimension_semantics = [#tpu.dimension_semantics<core_parallel>, #tpu.dimension_semantics<subcore_parallel>], iteration_bounds = array<i64: 2, 16>, scalar_prefetch = 0 : i64, scratch_operands = 8 : i64, tpu.core_type = #tpu.core_type<sc_vector_subcore>, window_params = [{transform_indices = #map}, {transform_indices = #map}, {transform_indices = #map}, {transform_indices = #map1}]} {
    %mul3A = arith.constant 16 : i32
    %mul3A_0 = arith.muli %arg0, %mul3A : i32
    %add3A = arith.addi %mul3A_0, %arg1 : i32
    %broadcast_in_dim3A = arith.constant 0.000000e+00 : f32
    %broadcast_in_dim3A_1 = vector.broadcast %broadcast_in_dim3A : f32 to vector<16xf32>
    %scan3A = arith.constant 0 : i32
    %scan3A_2 = arith.constant 0 : i32
    %scan3A_3 = arith.constant 320 : i32
    %scan3A_4 = arith.addi %scan3A_2, %scan3A_3 : i32
    %scan3A_5 = arith.constant 1 : i32
    %scan3A_6 = scf.for %scan3A_31 = %scan3A_2 to %scan3A_4 step %scan3A_5 iter_args(%scan3A_32 = %scan3A) -> (i32)  : i32 {
      %jit3A = arith.constant 8 : i32
      %div3A = arith.divsi %scan3A_31, %jit3A : i32
      %sign3A = arith.constant 0 : i32
      %sign3A_33 = arith.cmpi sgt, %scan3A_31, %sign3A : i32
      %sign3A_34 = arith.extui %sign3A_33 : i1 to i32
      %sign3A_35 = arith.constant 0 : i32
      %sign3A_36 = arith.cmpi slt, %scan3A_31, %sign3A_35 : i32
      %sign3A_37 = arith.extui %sign3A_36 : i1 to i32
      %sign3A_38 = arith.subi %sign3A_34, %sign3A_37 : i32
      %sign3A_39 = arith.constant 0 : i32
      %sign3A_40 = arith.cmpi sgt, %jit3A, %sign3A_39 : i32
      %sign3A_41 = arith.extui %sign3A_40 : i1 to i32
      %sign3A_42 = arith.constant 0 : i32
      %sign3A_43 = arith.cmpi slt, %jit3A, %sign3A_42 : i32
      %sign3A_44 = arith.extui %sign3A_43 : i1 to i32
      %sign3A_45 = arith.subi %sign3A_41, %sign3A_44 : i32
      %ne3A = arith.cmpi ne, %sign3A_38, %sign3A_45 : i32
      %rem3A = arith.remsi %scan3A_31, %jit3A : i32
      %ne3A_46 = arith.constant 0 : i32
      %ne3A_47 = arith.cmpi ne, %rem3A, %ne3A_46 : i32
      %and3A = arith.andi %ne3A, %ne3A_47 : i1
      %sub3A = arith.constant 1 : i32
      %sub3A_48 = arith.subi %div3A, %sub3A : i32
      %select_n3A = arith.select %and3A, %sub3A_48, %div3A : i32
      %jit3A_49 = arith.constant 8 : i32
      %eq3A = arith.constant 0 : i32
      %eq3A_50 = arith.cmpi eq, %jit3A_49, %eq3A : i32
      %jit3A_51 = arith.constant 1 : i32
      %select_n3A_52 = arith.select %eq3A_50, %jit3A_51, %jit3A_49 : i32
      %rem3A_53 = arith.remsi %scan3A_31, %select_n3A_52 : i32
      %ne3A_54 = arith.constant 0 : i32
      %ne3A_55 = arith.cmpi ne, %rem3A_53, %ne3A_54 : i32
      %lt3A = arith.constant 0 : i32
      %lt3A_56 = arith.cmpi slt, %rem3A_53, %lt3A : i32
      %lt3A_57 = arith.constant 0 : i32
      %lt3A_58 = arith.cmpi slt, %select_n3A_52, %lt3A_57 : i32
      %ne3A_59 = arith.xori %lt3A_56, %lt3A_58 : i1
      %and3A_60 = arith.andi %ne3A_59, %ne3A_55 : i1
      %add3A_61 = arith.addi %rem3A_53, %select_n3A_52 : i32
      %select_n3A_62 = arith.select %and3A_60, %add3A_61, %rem3A_53 : i32
      %mul3A_63 = arith.constant 16 : i32
      %mul3A_64 = arith.muli %select_n3A_62, %mul3A_63 : i32
      %swap3A = arith.index_cast %select_n3A : i32 to index
      %swap3A_65 = arith.index_cast %mul3A_64 : i32 to index
      %swap3A_66 = tpu.vector_load %arg10[%swap3A, %swap3A_65] {strides = array<i32>} : memref<40x128xf32, #tpu.memory_space<vmem>>, vector<1x16xf32>,
      %swap3A_67 = vector.shape_cast %swap3A_66 : vector<1x16xf32> to vector<16xf32>
      %swap3A_68 = vector.shape_cast %broadcast_in_dim3A_1 : vector<16xf32> to vector<1x16xf32>
      tpu.vector_store %arg10[%swap3A, %swap3A_65], %swap3A_68 {strides = array<i32>} : memref<40x128xf32, #tpu.memory_space<vmem>>, vector<1x16xf32>,
      %scan3A_69 = arith.constant 0 : i32
      scf.yield %scan3A_69 : i32
    }
    %scan3A_7 = arith.constant 320 : i32
    %scan3A_8 = arith.constant 0 : i32
    %scan3A_9 = arith.constant 0 : i32
    %scan3A_10 = arith.constant 15 : i32
    %scan3A_11 = arith.addi %scan3A_9, %scan3A_10 : i32
    %scan3A_12 = arith.constant 1 : i32
    %scan3A_13 = scf.for %scan3A_31 = %scan3A_9 to %scan3A_11 step %scan3A_12 iter_args(%scan3A_32 = %scan3A_8) -> (i32)  : i32 {
      %mul3A_33 = arith.constant 632 : i32
      %mul3A_34 = arith.muli %arg1, %mul3A_33 : i32
      %mul3A_35 = arith.constant 40 : i32
      %mul3A_36 = arith.muli %scan3A_31, %mul3A_35 : i32
      %add3A_37 = arith.addi %mul3A_34, %mul3A_36 : i32
      "tpu.region"() ({
        %run_scoped3A = tpu.sem_alloc : memref<!tpu.dma_semaphore, #tpu.memory_space<semaphore_mem>>
        %dma_start3A = arith.constant 0 : i32
        %dma_start3A_39 = tpu.memref_slice %arg11[%add3A_37, %dma_start3A] : memref<10112x128xf32, #tpu.memory_space<vmem_shared>> -> memref<40x128xf32, #tpu.memory_space<vmem_shared>>
        %dma_start3A_40 = arith.constant 0 : i32
        %dma_start3A_41 = tpu.memref_slice %arg11[%add3A_37, %dma_start3A_40] : memref<10112x128xf32, #tpu.memory_space<vmem_shared>> -> memref<40x128xf32, #tpu.memory_space<vmem_shared>>
        tpu.enqueue_dma source(%arg10 : memref<40x128xf32, #tpu.memory_space<vmem>>) target(%dma_start3A_41 : memref<40x128xf32, #tpu.memory_space<vmem_shared>>) target_semaphore(%run_scoped3A : memref<!tpu.dma_semaphore, #tpu.memory_space<semaphore_mem>>)
        %dma_wait3A = arith.constant 0 : i32
        %dma_wait3A_42 = tpu.memref_slice %arg11[%add3A_37, %dma_wait3A] : memref<10112x128xf32, #tpu.memory_space<vmem_shared>> -> memref<40x128xf32, #tpu.memory_space<vmem_shared>>
        %dma_wait3A_43 = arith.constant 0 : i32
        %dma_wait3A_44 = tpu.memref_slice %arg11[%add3A_37, %dma_wait3A_43] : memref<10112x128xf32, #tpu.memory_space<vmem_shared>> -> memref<40x128xf32, #tpu.memory_space<vmem_shared>>
        tpu.wait_dma2 semaphore(%run_scoped3A : memref<!tpu.dma_semaphore, #tpu.memory_space<semaphore_mem>>) src(%arg10 : memref<40x128xf32, #tpu.memory_space<vmem>>) dst(%dma_wait3A_44 : memref<40x128xf32, #tpu.memory_space<vmem_shared>>)
        tpu.yield
      }) : () -> ()
      %scan3A_38 = arith.constant 0 : i32
      scf.yield %scan3A_38 : i32
    }
    %scan3A_14 = arith.constant 15 : i32
    %mul3A_15 = arith.constant 632 : i32
    %mul3A_16 = arith.muli %arg1, %mul3A_15 : i32
    %add3A_17 = arith.constant 600 : i32
    %add3A_18 = arith.addi %mul3A_16, %add3A_17 : i32
    "tpu.region"() ({
      %run_scoped3A = tpu.sem_alloc : memref<!tpu.dma_semaphore, #tpu.memory_space<semaphore_mem>>
      %dma_start3A = arith.constant 0 : i32
      %dma_start3A_31 = arith.constant 0 : i32
      %dma_start3A_32 = tpu.memref_slice %arg10[%dma_start3A, %dma_start3A_31] : memref<40x128xf32, #tpu.memory_space<vmem>> -> memref<32x128xf32, #tpu.memory_space<vmem>>
      %dma_start3A_33 = arith.constant 0 : i32
      %dma_start3A_34 = tpu.memref_slice %arg11[%add3A_18, %dma_start3A_33] : memref<10112x128xf32, #tpu.memory_space<vmem_shared>> -> memref<32x128xf32, #tpu.memory_space<vmem_shared>>
      %dma_start3A_35 = arith.constant 0 : i32
      %dma_start3A_36 = tpu.memref_slice %arg11[%add3A_18, %dma_start3A_35] : memref<10112x128xf32, #tpu.memory_space<vmem_shared>> -> memref<32x128xf32, #tpu.memory_space<vmem_shared>>
      %dma_start3A_37 = arith.constant 0 : i32
      %dma_start3A_38 = arith.constant 0 : i32
      %dma_start3A_39 = tpu.memref_slice %arg10[%dma_start3A_37, %dma_start3A_38] : memref<40x128xf32, #tpu.memory_space<vmem>> -> memref<32x128xf32, #tpu.memory_space<vmem>>
      tpu.enqueue_dma source(%dma_start3A_39 : memref<32x128xf32, #tpu.memory_space<vmem>>) target(%dma_start3A_36 : memref<32x128xf32, #tpu.memory_space<vmem_shared>>) target_semaphore(%run_scoped3A : memref<!tpu.dma_semaphore, #tpu.memory_space<semaphore_mem>>)
      %dma_wait3A = arith.constant 0 : i32
      %dma_wait3A_40 = arith.constant 0 : i32
      %dma_wait3A_41 = tpu.memref_slice %arg10[%dma_wait3A, %dma_wait3A_40] : memref<40x128xf32, #tpu.memory_space<vmem>> -> memref<32x128xf32, #tpu.memory_space<vmem>>
      %dma_wait3A_42 = arith.constant 0 : i32
      %dma_wait3A_43 = tpu.memref_slice %arg11[%add3A_18, %dma_wait3A_42] : memref<10112x128xf32, #tpu.memory_space<vmem_shared>> -> memref<32x128xf32, #tpu.memory_space<vmem_shared>>
      %dma_wait3A_44 = arith.constant 0 : i32
      %dma_wait3A_45 = tpu.memref_slice %arg11[%add3A_18, %dma_wait3A_44] : memref<10112x128xf32, #tpu.memory_space<vmem_shared>> -> memref<32x128xf32, #tpu.memory_space<vmem_shared>>
      %dma_wait3A_46 = arith.constant 0 : i32
      %dma_wait3A_47 = arith.constant 0 : i32
      %dma_wait3A_48 = tpu.memref_slice %arg10[%dma_wait3A_46, %dma_wait3A_47] : memref<40x128xf32, #tpu.memory_space<vmem>> -> memref<32x128xf32, #tpu.memory_space<vmem>>
      tpu.wait_dma2 semaphore(%run_scoped3A : memref<!tpu.dma_semaphore, #tpu.memory_space<semaphore_mem>>) src(%dma_wait3A_48 : memref<32x128xf32, #tpu.memory_space<vmem>>) dst(%dma_wait3A_45 : memref<32x128xf32, #tpu.memory_space<vmem_shared>>)
      tpu.yield
    }) : () -> ()
    %barrier3A = arith.constant 0 : index
    tpu.barrier barrier_id(%barrier3A)
    %scan3A_19 = arith.constant 0 : i32
    %scan3A_20 = arith.constant 0 : i32
    %scan3A_21 = arith.constant 2 : i32
    %scan3A_22 = arith.addi %scan3A_20, %scan3A_21 : i32
    %scan3A_23 = arith.constant 1 : i32
    %scan3A_24 = scf.for %scan3A_31 = %scan3A_20 to %scan3A_22 step %scan3A_23 iter_args(%scan3A_32 = %scan3A_19) -> (i32)  : i32 {
      %mul3A_33 = arith.constant 80 : i32
      %mul3A_34 = arith.muli %add3A, %mul3A_33 : i32
      %mul3A_35 = arith.constant 40 : i32
      %mul3A_36 = arith.muli %scan3A_31, %mul3A_35 : i32
      %add3A_37 = arith.addi %mul3A_34, %mul3A_36 : i32
      "tpu.region"() ({
        %run_scoped3A_73 = tpu.sem_alloc : memref<!tpu.dma_semaphore, #tpu.memory_space<semaphore_mem>>
        %dma_start3A_74 = arith.constant 0 : i32
        %dma_start3A_75 = tpu.memref_slice %arg2[%add3A_37, %dma_start3A_74] : memref<2560x128xi32, #tpu.memory_space<hbm>> -> memref<40x128xi32, #tpu.memory_space<hbm>>
        %dma_start3A_76 = arith.constant 0 : i32
        %dma_start3A_77 = tpu.memref_slice %arg2[%add3A_37, %dma_start3A_76] : memref<2560x128xi32, #tpu.memory_space<hbm>> -> memref<40x128xi32, #tpu.memory_space<hbm>>
        tpu.enqueue_dma source(%dma_start3A_77 : memref<40x128xi32, #tpu.memory_space<hbm>>) target(%arg6 : memref<40x128xi32, #tpu.memory_space<vmem>>) target_semaphore(%run_scoped3A_73 : memref<!tpu.dma_semaphore, #tpu.memory_space<semaphore_mem>>)
        %dma_wait3A_78 = arith.constant 0 : i32
        %dma_wait3A_79 = tpu.memref_slice %arg2[%add3A_37, %dma_wait3A_78] : memref<2560x128xi32, #tpu.memory_space<hbm>> -> memref<40x128xi32, #tpu.memory_space<hbm>>
        %dma_wait3A_80 = arith.constant 0 : i32
        %dma_wait3A_81 = tpu.memref_slice %arg2[%add3A_37, %dma_wait3A_80] : memref<2560x128xi32, #tpu.memory_space<hbm>> -> memref<40x128xi32, #tpu.memory_space<hbm>>
        tpu.wait_dma2 semaphore(%run_scoped3A_73 : memref<!tpu.dma_semaphore, #tpu.memory_space<semaphore_mem>>) src(%dma_wait3A_81 : memref<40x128xi32, #tpu.memory_space<hbm>>) dst(%arg6 : memref<40x128xi32, #tpu.memory_space<vmem>>)
        tpu.yield
      }) : () -> ()
      "tpu.region"() ({
        %run_scoped3A_73 = tpu.sem_alloc : memref<!tpu.dma_semaphore, #tpu.memory_space<semaphore_mem>>
        %dma_start3A_74 = arith.constant 0 : i32
        %dma_start3A_75 = tpu.memref_slice %arg3[%add3A_37, %dma_start3A_74] : memref<2560x128xi32, #tpu.memory_space<hbm>> -> memref<40x128xi32, #tpu.memory_space<hbm>>
        %dma_start3A_76 = arith.constant 0 : i32
        %dma_start3A_77 = tpu.memref_slice %arg3[%add3A_37, %dma_start3A_76] : memref<2560x128xi32, #tpu.memory_space<hbm>> -> memref<40x128xi32, #tpu.memory_space<hbm>>
        tpu.enqueue_dma source(%dma_start3A_77 : memref<40x128xi32, #tpu.memory_space<hbm>>) target(%arg7 : memref<40x128xi32, #tpu.memory_space<vmem>>) target_semaphore(%run_scoped3A_73 : memref<!tpu.dma_semaphore, #tpu.memory_space<semaphore_mem>>)
        %dma_wait3A_78 = arith.constant 0 : i32
        %dma_wait3A_79 = tpu.memref_slice %arg3[%add3A_37, %dma_wait3A_78] : memref<2560x128xi32, #tpu.memory_space<hbm>> -> memref<40x128xi32, #tpu.memory_space<hbm>>
        %dma_wait3A_80 = arith.constant 0 : i32
        %dma_wait3A_81 = tpu.memref_slice %arg3[%add3A_37, %dma_wait3A_80] : memref<2560x128xi32, #tpu.memory_space<hbm>> -> memref<40x128xi32, #tpu.memory_space<hbm>>
        tpu.wait_dma2 semaphore(%run_scoped3A_73 : memref<!tpu.dma_semaphore, #tpu.memory_space<semaphore_mem>>) src(%dma_wait3A_81 : memref<40x128xi32, #tpu.memory_space<hbm>>) dst(%arg7 : memref<40x128xi32, #tpu.memory_space<vmem>>)
        tpu.yield
      }) : () -> ()
      %dma_start3A = arith.constant 0 : i32
      %dma_start3A_38 = arith.constant 0 : i32
      %dma_start3A_39 = tpu.memref_slice %arg6[%dma_start3A, %dma_start3A_38] : memref<40x128xi32, #tpu.memory_space<vmem>> -> memref<1x128xi32, #tpu.memory_space<vmem>>
      %dma_start3A_40 = tpu.memref_squeeze %dma_start3A_39 : memref<1x128xi32, #tpu.memory_space<vmem>> -> memref<128xi32, #tpu.memory_space<vmem>>
      %dma_start3A_41 = arith.constant 0 : i32
      %dma_start3A_42 = arith.constant 0 : i32
      %dma_start3A_43 = tpu.memref_slice %arg4[%dma_start3A_41, %dma_start3A_42] : memref<10000x128xf32, #tpu.memory_space<hbm>> -> memref<10000x128xf32, #tpu.memory_space<hbm>>
      tpu.enqueue_indirect_dma source(%dma_start3A_43 : memref<10000x128xf32, #tpu.memory_space<hbm>>) target(%arg8 : memref<128x128xf32, #tpu.memory_space<vmem>>) offsets(%dma_start3A_40 : memref<128xi32, #tpu.memory_space<vmem>>) semaphore(%arg12 : memref<!tpu.dma_semaphore, #tpu.memory_space<semaphore_mem>>)
      %scan3A_44 = arith.constant 0 : i32
      %scan3A_45 = arith.constant 0 : i32
      %scan3A_46 = arith.constant 19 : i32
      %scan3A_47 = arith.addi %scan3A_45, %scan3A_46 : i32
      %scan3A_48 = arith.constant 1 : i32
      %scan3A_49 = scf.for %scan3A_73 = %scan3A_45 to %scan3A_47 step %scan3A_48 iter_args(%scan3A_74 = %scan3A_44) -> (i32)  : i32 {
        %mul3A_75 = arith.constant 2 : i32
        %mul3A_76 = arith.muli %mul3A_75, %scan3A_73 : i32
        %add3A_77 = arith.constant 1 : i32
        %add3A_78 = arith.addi %mul3A_76, %add3A_77 : i32
        %dma_start3A_79 = arith.constant 0 : i32
        %dma_start3A_80 = tpu.memref_slice %arg6[%add3A_78, %dma_start3A_79] : memref<40x128xi32, #tpu.memory_space<vmem>> -> memref<1x128xi32, #tpu.memory_space<vmem>>
        %dma_start3A_81 = tpu.memref_squeeze %dma_start3A_80 : memref<1x128xi32, #tpu.memory_space<vmem>> -> memref<128xi32, #tpu.memory_space<vmem>>
        %dma_start3A_82 = arith.constant 0 : i32
        %dma_start3A_83 = arith.constant 0 : i32
        %dma_start3A_84 = tpu.memref_slice %arg4[%dma_start3A_82, %dma_start3A_83] : memref<10000x128xf32, #tpu.memory_space<hbm>> -> memref<10000x128xf32, #tpu.memory_space<hbm>>
        tpu.enqueue_indirect_dma source(%dma_start3A_84 : memref<10000x128xf32, #tpu.memory_space<hbm>>) target(%arg9 : memref<128x128xf32, #tpu.memory_space<vmem>>) offsets(%dma_start3A_81 : memref<128xi32, #tpu.memory_space<vmem>>) semaphore(%arg13 : memref<!tpu.dma_semaphore, #tpu.memory_space<semaphore_mem>>)
        %mul3A_85 = arith.constant 2 : i32
        %mul3A_86 = arith.muli %mul3A_85, %scan3A_73 : i32
        %dma_wait3A_87 = arith.constant 0 : i32
        %dma_wait3A_88 = tpu.memref_slice %arg6[%mul3A_86, %dma_wait3A_87] : memref<40x128xi32, #tpu.memory_space<vmem>> -> memref<1x128xi32, #tpu.memory_space<vmem>>
        %dma_wait3A_89 = tpu.memref_squeeze %dma_wait3A_88 : memref<1x128xi32, #tpu.memory_space<vmem>> -> memref<128xi32, #tpu.memory_space<vmem>>
        %dma_wait3A_90 = arith.constant 0 : i32
        %dma_wait3A_91 = arith.constant 0 : i32
        %dma_wait3A_92 = tpu.memref_slice %arg4[%dma_wait3A_90, %dma_wait3A_91] : memref<10000x128xf32, #tpu.memory_space<hbm>> -> memref<10000x128xf32, #tpu.memory_space<hbm>>
        tpu.wait_indirect_dma semaphore(%arg12 : memref<!tpu.dma_semaphore, #tpu.memory_space<semaphore_mem>>) src(%dma_wait3A_92 : memref<10000x128xf32, #tpu.memory_space<hbm>>) dst(%arg8 : memref<128x128xf32, #tpu.memory_space<vmem>>)
        "tpu.region"() ({
          %run_scoped3A_114 = tpu.sem_alloc : memref<!tpu.dma_semaphore, #tpu.memory_space<semaphore_mem>>
          %dma_start3A_115 = arith.constant 0 : i32
          %dma_start3A_116 = tpu.memref_slice %arg7[%mul3A_86, %dma_start3A_115] : memref<40x128xi32, #tpu.memory_space<vmem>> -> memref<1x128xi32, #tpu.memory_space<vmem>>
          %dma_start3A_117 = tpu.memref_squeeze %dma_start3A_116 : memref<1x128xi32, #tpu.memory_space<vmem>> -> memref<128xi32, #tpu.memory_space<vmem>>
          %dma_start3A_118 = arith.constant 0 : i32
          %dma_start3A_119 = arith.constant 0 : i32
          %dma_start3A_120 = tpu.memref_slice %arg11[%dma_start3A_118, %dma_start3A_119] : memref<10112x128xf32, #tpu.memory_space<vmem_shared>> -> memref<10112x128xf32, #tpu.memory_space<vmem_shared>>
          tpu.enqueue_indirect_dma source(%arg8 : memref<128x128xf32, #tpu.memory_space<vmem>>) target(%dma_start3A_120 : memref<10112x128xf32, #tpu.memory_space<vmem_shared>>) offsets(%dma_start3A_117 : memref<128xi32, #tpu.memory_space<vmem>>) semaphore(%run_scoped3A_114 : memref<!tpu.dma_semaphore, #tpu.memory_space<semaphore_mem>>) {add = true}
          %dma_wait3A_121 = arith.constant 0 : i32
          %dma_wait3A_122 = tpu.memref_slice %arg7[%mul3A_86, %dma_wait3A_121] : memref<40x128xi32, #tpu.memory_space<vmem>> -> memref<1x128xi32, #tpu.memory_space<vmem>>
          %dma_wait3A_123 = tpu.memref_squeeze %dma_wait3A_122 : memref<1x128xi32, #tpu.memory_space<vmem>> -> memref<128xi32, #tpu.memory_space<vmem>>
          %dma_wait3A_124 = arith.constant 0 : i32
          %dma_wait3A_125 = arith.constant 0 : i32
          %dma_wait3A_126 = tpu.memref_slice %arg11[%dma_wait3A_124, %dma_wait3A_125] : memref<10112x128xf32, #tpu.memory_space<vmem_shared>> -> memref<10112x128xf32, #tpu.memory_space<vmem_shared>>
          tpu.wait_indirect_dma semaphore(%run_scoped3A_114 : memref<!tpu.dma_semaphore, #tpu.memory_space<semaphore_mem>>) src(%arg8 : memref<128x128xf32, #tpu.memory_space<vmem>>) dst(%dma_wait3A_126 : memref<10112x128xf32, #tpu.memory_space<vmem_shared>>)
          tpu.yield
        }) : () -> ()
        %mul3A_93 = arith.constant 2 : i32
        %mul3A_94 = arith.muli %mul3A_93, %scan3A_73 : i32
        %add3A_95 = arith.constant 2 : i32
        %add3A_96 = arith.addi %mul3A_94, %add3A_95 : i32
        %dma_start3A_97 = arith.constant 0 : i32
        %dma_start3A_98 = tpu.memref_slice %arg6[%add3A_96, %dma_start3A_97] : memref<40x128xi32, #tpu.memory_space<vmem>> -> memref<1x128xi32, #tpu.memory_space<vmem>>
        %dma_start3A_99 = tpu.memref_squeeze %dma_start3A_98 : memref<1x128xi32, #tpu.memory_space<vmem>> -> memref<128xi32, #tpu.memory_space<vmem>>
        %dma_start3A_100 = arith.constant 0 : i32
        %dma_start3A_101 = arith.constant 0 : i32
        %dma_start3A_102 = tpu.memref_slice %arg4[%dma_start3A_100, %dma_start3A_101] : memref<10000x128xf32, #tpu.memory_space<hbm>> -> memref<10000x128xf32, #tpu.memory_space<hbm>>
        tpu.enqueue_indirect_dma source(%dma_start3A_102 : memref<10000x128xf32, #tpu.memory_space<hbm>>) target(%arg8 : memref<128x128xf32, #tpu.memory_space<vmem>>) offsets(%dma_start3A_99 : memref<128xi32, #tpu.memory_space<vmem>>) semaphore(%arg12 : memref<!tpu.dma_semaphore, #tpu.memory_space<semaphore_mem>>)
        %mul3A_103 = arith.constant 2 : i32
        %mul3A_104 = arith.muli %mul3A_103, %scan3A_73 : i32
        %add3A_105 = arith.constant 1 : i32
        %add3A_106 = arith.addi %mul3A_104, %add3A_105 : i32
        %dma_wait3A_107 = arith.constant 0 : i32
        %dma_wait3A_108 = tpu.memref_slice %arg6[%add3A_106, %dma_wait3A_107] : memref<40x128xi32, #tpu.memory_space<vmem>> -> memref<1x128xi32, #tpu.memory_space<vmem>>
        %dma_wait3A_109 = tpu.memref_squeeze %dma_wait3A_108 : memref<1x128xi32, #tpu.memory_space<vmem>> -> memref<128xi32, #tpu.memory_space<vmem>>
        %dma_wait3A_110 = arith.constant 0 : i32
        %dma_wait3A_111 = arith.constant 0 : i32
        %dma_wait3A_112 = tpu.memref_slice %arg4[%dma_wait3A_110, %dma_wait3A_111] : memref<10000x128xf32, #tpu.memory_space<hbm>> -> memref<10000x128xf32, #tpu.memory_space<hbm>>
        tpu.wait_indirect_dma semaphore(%arg13 : memref<!tpu.dma_semaphore, #tpu.memory_space<semaphore_mem>>) src(%dma_wait3A_112 : memref<10000x128xf32, #tpu.memory_space<hbm>>) dst(%arg9 : memref<128x128xf32, #tpu.memory_space<vmem>>)
        "tpu.region"() ({
          %run_scoped3A_114 = tpu.sem_alloc : memref<!tpu.dma_semaphore, #tpu.memory_space<semaphore_mem>>
          %dma_start3A_115 = arith.constant 0 : i32
          %dma_start3A_116 = tpu.memref_slice %arg7[%add3A_106, %dma_start3A_115] : memref<40x128xi32, #tpu.memory_space<vmem>> -> memref<1x128xi32, #tpu.memory_space<vmem>>
          %dma_start3A_117 = tpu.memref_squeeze %dma_start3A_116 : memref<1x128xi32, #tpu.memory_space<vmem>> -> memref<128xi32, #tpu.memory_space<vmem>>
          %dma_start3A_118 = arith.constant 0 : i32
          %dma_start3A_119 = arith.constant 0 : i32
          %dma_start3A_120 = tpu.memref_slice %arg11[%dma_start3A_118, %dma_start3A_119] : memref<10112x128xf32, #tpu.memory_space<vmem_shared>> -> memref<10112x128xf32, #tpu.memory_space<vmem_shared>>
          tpu.enqueue_indirect_dma source(%arg9 : memref<128x128xf32, #tpu.memory_space<vmem>>) target(%dma_start3A_120 : memref<10112x128xf32, #tpu.memory_space<vmem_shared>>) offsets(%dma_start3A_117 : memref<128xi32, #tpu.memory_space<vmem>>) semaphore(%run_scoped3A_114 : memref<!tpu.dma_semaphore, #tpu.memory_space<semaphore_mem>>) {add = true}
          %dma_wait3A_121 = arith.constant 0 : i32
          %dma_wait3A_122 = tpu.memref_slice %arg7[%add3A_106, %dma_wait3A_121] : memref<40x128xi32, #tpu.memory_space<vmem>> -> memref<1x128xi32, #tpu.memory_space<vmem>>
          %dma_wait3A_123 = tpu.memref_squeeze %dma_wait3A_122 : memref<1x128xi32, #tpu.memory_space<vmem>> -> memref<128xi32, #tpu.memory_space<vmem>>
          %dma_wait3A_124 = arith.constant 0 : i32
          %dma_wait3A_125 = arith.constant 0 : i32
          %dma_wait3A_126 = tpu.memref_slice %arg11[%dma_wait3A_124, %dma_wait3A_125] : memref<10112x128xf32, #tpu.memory_space<vmem_shared>> -> memref<10112x128xf32, #tpu.memory_space<vmem_shared>>
          tpu.wait_indirect_dma semaphore(%run_scoped3A_114 : memref<!tpu.dma_semaphore, #tpu.memory_space<semaphore_mem>>) src(%arg9 : memref<128x128xf32, #tpu.memory_space<vmem>>) dst(%dma_wait3A_126 : memref<10112x128xf32, #tpu.memory_space<vmem_shared>>)
          tpu.yield
        }) : () -> ()
        %scan3A_113 = arith.constant 0 : i32
        scf.yield %scan3A_113 : i32
      }
      %scan3A_50 = arith.constant 19 : i32
      %dma_start3A_51 = arith.constant 39 : i32
      %dma_start3A_52 = arith.constant 0 : i32
      %dma_start3A_53 = tpu.memref_slice %arg6[%dma_start3A_51, %dma_start3A_52] : memref<40x128xi32, #tpu.memory_space<vmem>> -> memref<1x128xi32, #tpu.memory_space<vmem>>
      %dma_start3A_54 = tpu.memref_squeeze %dma_start3A_53 : memref<1x128xi32, #tpu.memory_space<vmem>> -> memref<128xi32, #tpu.memory_space<vmem>>
      %dma_start3A_55 = arith.constant 0 : i32
      %dma_start3A_56 = arith.constant 0 : i32
      %dma_start3A_57 = tpu.memref_slice %arg4[%dma_start3A_55, %dma_start3A_56] : memref<10000x128xf32, #tpu.memory_space<hbm>> -> memref<10000x128xf32, #tpu.memory_space<hbm>>
      tpu.enqueue_indirect_dma source(%dma_start3A_57 : memref<10000x128xf32, #tpu.memory_space<hbm>>) target(%arg9 : memref<128x128xf32, #tpu.memory_space<vmem>>) offsets(%dma_start3A_54 : memref<128xi32, #tpu.memory_space<vmem>>) semaphore(%arg13 : memref<!tpu.dma_semaphore, #tpu.memory_space<semaphore_mem>>)
      %dma_wait3A = arith.constant 38 : i32
      %dma_wait3A_58 = arith.constant 0 : i32
      %dma_wait3A_59 = tpu.memref_slice %arg6[%dma_wait3A, %dma_wait3A_58] : memref<40x128xi32, #tpu.memory_space<vmem>> -> memref<1x128xi32, #tpu.memory_space<vmem>>
      %dma_wait3A_60 = tpu.memref_squeeze %dma_wait3A_59 : memref<1x128xi32, #tpu.memory_space<vmem>> -> memref<128xi32, #tpu.memory_space<vmem>>
      %dma_wait3A_61 = arith.constant 0 : i32
      %dma_wait3A_62 = arith.constant 0 : i32
      %dma_wait3A_63 = tpu.memref_slice %arg4[%dma_wait3A_61, %dma_wait3A_62] : memref<10000x128xf32, #tpu.memory_space<hbm>> -> memref<10000x128xf32, #tpu.memory_space<hbm>>
      tpu.wait_indirect_dma semaphore(%arg12 : memref<!tpu.dma_semaphore, #tpu.memory_space<semaphore_mem>>) src(%dma_wait3A_63 : memref<10000x128xf32, #tpu.memory_space<hbm>>) dst(%arg8 : memref<128x128xf32, #tpu.memory_space<vmem>>)
      %run_scoped3A = arith.constant 38 : i32
      "tpu.region"() ({
        %run_scoped3A_73 = tpu.sem_alloc : memref<!tpu.dma_semaphore, #tpu.memory_space<semaphore_mem>>
        %dma_start3A_74 = arith.constant 0 : i32
        %dma_start3A_75 = tpu.memref_slice %arg7[%run_scoped3A, %dma_start3A_74] : memref<40x128xi32, #tpu.memory_space<vmem>> -> memref<1x128xi32, #tpu.memory_space<vmem>>
        %dma_start3A_76 = tpu.memref_squeeze %dma_start3A_75 : memref<1x128xi32, #tpu.memory_space<vmem>> -> memref<128xi32, #tpu.memory_space<vmem>>
        %dma_start3A_77 = arith.constant 0 : i32
        %dma_start3A_78 = arith.constant 0 : i32
        %dma_start3A_79 = tpu.memref_slice %arg11[%dma_start3A_77, %dma_start3A_78] : memref<10112x128xf32, #tpu.memory_space<vmem_shared>> -> memref<10112x128xf32, #tpu.memory_space<vmem_shared>>
        tpu.enqueue_indirect_dma source(%arg8 : memref<128x128xf32, #tpu.memory_space<vmem>>) target(%dma_start3A_79 : memref<10112x128xf32, #tpu.memory_space<vmem_shared>>) offsets(%dma_start3A_76 : memref<128xi32, #tpu.memory_space<vmem>>) semaphore(%run_scoped3A_73 : memref<!tpu.dma_semaphore, #tpu.memory_space<semaphore_mem>>) {add = true}
        %dma_wait3A_80 = arith.constant 0 : i32
        %dma_wait3A_81 = tpu.memref_slice %arg7[%run_scoped3A, %dma_wait3A_80] : memref<40x128xi32, #tpu.memory_space<vmem>> -> memref<1x128xi32, #tpu.memory_space<vmem>>
        %dma_wait3A_82 = tpu.memref_squeeze %dma_wait3A_81 : memref<1x128xi32, #tpu.memory_space<vmem>> -> memref<128xi32, #tpu.memory_space<vmem>>
        %dma_wait3A_83 = arith.constant 0 : i32
        %dma_wait3A_84 = arith.constant 0 : i32
        %dma_wait3A_85 = tpu.memref_slice %arg11[%dma_wait3A_83, %dma_wait3A_84] : memref<10112x128xf32, #tpu.memory_space<vmem_shared>> -> memref<10112x128xf32, #tpu.memory_space<vmem_shared>>
        tpu.wait_indirect_dma semaphore(%run_scoped3A_73 : memref<!tpu.dma_semaphore, #tpu.memory_space<semaphore_mem>>) src(%arg8 : memref<128x128xf32, #tpu.memory_space<vmem>>) dst(%dma_wait3A_85 : memref<10112x128xf32, #tpu.memory_space<vmem_shared>>)
        tpu.yield
      }) : () -> ()
      %dma_wait3A_64 = arith.constant 39 : i32
      %dma_wait3A_65 = arith.constant 0 : i32
      %dma_wait3A_66 = tpu.memref_slice %arg6[%dma_wait3A_64, %dma_wait3A_65] : memref<40x128xi32, #tpu.memory_space<vmem>> -> memref<1x128xi32, #tpu.memory_space<vmem>>
      %dma_wait3A_67 = tpu.memref_squeeze %dma_wait3A_66 : memref<1x128xi32, #tpu.memory_space<vmem>> -> memref<128xi32, #tpu.memory_space<vmem>>
      %dma_wait3A_68 = arith.constant 0 : i32
      %dma_wait3A_69 = arith.constant 0 : i32
      %dma_wait3A_70 = tpu.memref_slice %arg4[%dma_wait3A_68, %dma_wait3A_69] : memref<10000x128xf32, #tpu.memory_space<hbm>> -> memref<10000x128xf32, #tpu.memory_space<hbm>>
      tpu.wait_indirect_dma semaphore(%arg13 : memref<!tpu.dma_semaphore, #tpu.memory_space<semaphore_mem>>) src(%dma_wait3A_70 : memref<10000x128xf32, #tpu.memory_space<hbm>>) dst(%arg9 : memref<128x128xf32, #tpu.memory_space<vmem>>)
      %run_scoped3A_71 = arith.constant 39 : i32
      "tpu.region"() ({
        %run_scoped3A_73 = tpu.sem_alloc : memref<!tpu.dma_semaphore, #tpu.memory_space<semaphore_mem>>
        %dma_start3A_74 = arith.constant 0 : i32
        %dma_start3A_75 = tpu.memref_slice %arg7[%run_scoped3A_71, %dma_start3A_74] : memref<40x128xi32, #tpu.memory_space<vmem>> -> memref<1x128xi32, #tpu.memory_space<vmem>>
        %dma_start3A_76 = tpu.memref_squeeze %dma_start3A_75 : memref<1x128xi32, #tpu.memory_space<vmem>> -> memref<128xi32, #tpu.memory_space<vmem>>
        %dma_start3A_77 = arith.constant 0 : i32
        %dma_start3A_78 = arith.constant 0 : i32
        %dma_start3A_79 = tpu.memref_slice %arg11[%dma_start3A_77, %dma_start3A_78] : memref<10112x128xf32, #tpu.memory_space<vmem_shared>> -> memref<10112x128xf32, #tpu.memory_space<vmem_shared>>
        tpu.enqueue_indirect_dma source(%arg9 : memref<128x128xf32, #tpu.memory_space<vmem>>) target(%dma_start3A_79 : memref<10112x128xf32, #tpu.memory_space<vmem_shared>>) offsets(%dma_start3A_76 : memref<128xi32, #tpu.memory_space<vmem>>) semaphore(%run_scoped3A_73 : memref<!tpu.dma_semaphore, #tpu.memory_space<semaphore_mem>>) {add = true}
        %dma_wait3A_80 = arith.constant 0 : i32
        %dma_wait3A_81 = tpu.memref_slice %arg7[%run_scoped3A_71, %dma_wait3A_80] : memref<40x128xi32, #tpu.memory_space<vmem>> -> memref<1x128xi32, #tpu.memory_space<vmem>>
        %dma_wait3A_82 = tpu.memref_squeeze %dma_wait3A_81 : memref<1x128xi32, #tpu.memory_space<vmem>> -> memref<128xi32, #tpu.memory_space<vmem>>
        %dma_wait3A_83 = arith.constant 0 : i32
        %dma_wait3A_84 = arith.constant 0 : i32
        %dma_wait3A_85 = tpu.memref_slice %arg11[%dma_wait3A_83, %dma_wait3A_84] : memref<10112x128xf32, #tpu.memory_space<vmem_shared>> -> memref<10112x128xf32, #tpu.memory_space<vmem_shared>>
        tpu.wait_indirect_dma semaphore(%run_scoped3A_73 : memref<!tpu.dma_semaphore, #tpu.memory_space<semaphore_mem>>) src(%arg9 : memref<128x128xf32, #tpu.memory_space<vmem>>) dst(%dma_wait3A_85 : memref<10112x128xf32, #tpu.memory_space<vmem_shared>>)
        tpu.yield
      }) : () -> ()
      %scan3A_72 = arith.constant 0 : i32
      scf.yield %scan3A_72 : i32
    }
    %scan3A_25 = arith.constant 2 : i32
    %barrier3A_26 = arith.constant 0 : index
    tpu.barrier barrier_id(%barrier3A_26)
    %mul3A_27 = arith.constant 632 : i32
    %mul3A_28 = arith.muli %arg1, %mul3A_27 : i32
    %mul3A_29 = arith.constant 632 : i32
    %mul3A_30 = arith.muli %arg1, %mul3A_29 : i32
    "tpu.region"() ({
      %run_scoped3A = tpu.sem_alloc : memref<!tpu.dma_semaphore, #tpu.memory_space<semaphore_mem>>
      %dma_start3A = arith.constant 0 : i32
      %dma_start3A_31 = tpu.memref_slice %arg5[%arg0, %mul3A_30, %dma_start3A] : memref<2x10112x128xf32, #tpu.memory_space<hbm>> -> memref<1x632x128xf32, #tpu.memory_space<hbm>>
      %dma_start3A_32 = tpu.memref_squeeze %dma_start3A_31 : memref<1x632x128xf32, #tpu.memory_space<hbm>> -> memref<632x128xf32, #tpu.memory_space<hbm>>
      %dma_start3A_33 = arith.constant 0 : i32
      %dma_start3A_34 = tpu.memref_slice %arg11[%mul3A_28, %dma_start3A_33] : memref<10112x128xf32, #tpu.memory_space<vmem_shared>> -> memref<632x128xf32, #tpu.memory_space<vmem_shared>>
      tpu.enqueue_dma source(%dma_start3A_34 : memref<632x128xf32, #tpu.memory_space<vmem_shared>>) target(%dma_start3A_32 : memref<632x128xf32, #tpu.memory_space<hbm>>) target_semaphore(%run_scoped3A : memref<!tpu.dma_semaphore, #tpu.memory_space<semaphore_mem>>)
      %dma_wait3A = arith.constant 0 : i32
      %dma_wait3A_35 = tpu.memref_slice %arg5[%arg0, %mul3A_30, %dma_wait3A] : memref<2x10112x128xf32, #tpu.memory_space<hbm>> -> memref<1x632x128xf32, #tpu.memory_space<hbm>>
      %dma_wait3A_36 = tpu.memref_squeeze %dma_wait3A_35 : memref<1x632x128xf32, #tpu.memory_space<hbm>> -> memref<632x128xf32, #tpu.memory_space<hbm>>
      %dma_wait3A_37 = arith.constant 0 : i32
      %dma_wait3A_38 = tpu.memref_slice %arg11[%mul3A_28, %dma_wait3A_37] : memref<10112x128xf32, #tpu.memory_space<vmem_shared>> -> memref<632x128xf32, #tpu.memory_space<vmem_shared>>
      tpu.wait_dma2 semaphore(%run_scoped3A : memref<!tpu.dma_semaphore, #tpu.memory_space<semaphore_mem>>) src(%dma_wait3A_38 : memref<632x128xf32, #tpu.memory_space<vmem_shared>>) dst(%dma_wait3A_36 : memref<632x128xf32, #tpu.memory_space<hbm>>)
      tpu.yield
    }) : () -> ()
    return
  }
}

module attributes {stable_mosaic.version = 14 : i64} {
  func.func @_tc_h_body(%arg0: i32, %arg1: memref<1000x128xf32, #tpu.memory_space<vmem>>, %arg2: memref<128x128xf32, #tpu.memory_space<vmem>>, %arg3: memref<1000x128xf32, #tpu.memory_space<vmem>>) attributes {dimension_semantics = [#tpu.dimension_semantics<arbitrary>], iteration_bounds = array<i64: 10>, scalar_prefetch = 0 : i64, scratch_operands = 0 : i64, tpu.core_type = #tpu.core_type<tc>, window_params = [{transform_indices = @transform_0, window_bounds = array<i64: 1000, 128>}, {pipeline_mode = #tpu.pipeline_mode<synchronous>, transform_indices = @transform_1, window_bounds = array<i64: 128, 128>}, {transform_indices = @transform_2, window_bounds = array<i64: 1000, 128>}]} {
    %get3A = arith.constant 0 : index
    %get3A_0 = arith.constant 0 : index
    %get3A_1 = vector.load %arg1[%get3A, %get3A_0] : memref<1000x128xf32, #tpu.memory_space<vmem>>, vector<1000x128xf32>
    %get3A_2 = arith.constant 0 : index
    %get3A_3 = arith.constant 0 : index
    %get3A_4 = vector.load %arg2[%get3A_2, %get3A_3] : memref<128x128xf32, #tpu.memory_space<vmem>>, vector<128x128xf32>
    %dot_general3A = arith.constant dense<0.000000e+00> : vector<1000x128xf32>
    %dot_general3A_5 = tpu.matmul %get3A_1, %get3A_4, %dot_general3A {dimension_numbers = #tpu.dot_dimension_numbers<[1], [0], [0], [1], [0, 0, 1, 1], [], []>, transpose_lhs_hint = false} : vector<1000x128xf32>, vector<128x128xf32>, vector<1000x128xf32> -> vector<1000x128xf32>
    %swap3A = arith.constant 0 : index
    %swap3A_6 = arith.constant 0 : index
    %swap3A_7 = vector.load %arg3[%swap3A, %swap3A_6] : memref<1000x128xf32, #tpu.memory_space<vmem>>, vector<1000x128xf32>
    tpu.vector_store %arg3[%swap3A, %swap3A_6], %dot_general3A_5 {strides = array<i32>} : memref<1000x128xf32, #tpu.memory_space<vmem>>, vector<1000x128xf32>,
    return
  }
  func.func @transform_0(%arg0: i32) -> (i32, i32) {
    %c0_i32 = arith.constant 0 : i32
    %c0_i32_0 = arith.constant 0 : i32
    return %arg0, %c0_i32 : i32, i32
  }
  func.func @transform_1(%arg0: i32) -> (i32, i32) {
    %c0_i32 = arith.constant 0 : i32
    %c0_i32_0 = arith.constant 0 : i32
    %c0_i32_1 = arith.constant 0 : i32
    return %c0_i32, %c0_i32_0 : i32, i32
  }
  func.func @transform_2(%arg0: i32) -> (i32, i32) {
    %c0_i32 = arith.constant 0 : i32
    %c0_i32_0 = arith.constant 0 : i32
    return %arg0, %c0_i32 : i32, i32
  }
}

module attributes {stable_mosaic.version = 14 : i64} {
  func.func @_tc_hp_body(%arg0: i32, %arg1: memref<1000x128xf32, #tpu.memory_space<vmem>>, %arg2: memref<2x1000x128xf32, #tpu.memory_space<vmem>>, %arg3: memref<1000x128xf32, #tpu.memory_space<vmem>>) attributes {dimension_semantics = [#tpu.dimension_semantics<arbitrary>], iteration_bounds = array<i64: 10>, scalar_prefetch = 0 : i64, scratch_operands = 0 : i64, tpu.core_type = #tpu.core_type<tc>, window_params = [{transform_indices = @transform_0, window_bounds = array<i64: 1000, 128>}, {transform_indices = @transform_1, window_bounds = array<i64: 2, 1000, 128>}, {transform_indices = @transform_2, window_bounds = array<i64: 1000, 128>}]} {
    %get3A = arith.constant 0 : index
    %get3A_0 = arith.constant 0 : index
    %get3A_1 = arith.constant 0 : index
    %get3A_2 = vector.load %arg2[%get3A, %get3A_0, %get3A_1] : memref<2x1000x128xf32, #tpu.memory_space<vmem>>, vector<1x1000x1xf32>
    %get3A_3 = vector.shape_cast %get3A_2 : vector<1x1000x1xf32> to vector<1000x1xf32>
    %add3A = arith.constant 1.000000e+00 : f32
    %add3A_4 = vector.broadcast %add3A : f32 to vector<1000x1xf32>
    %add3A_5 = arith.addf %add3A_4, %get3A_3 : vector<1000x1xf32>
    %get3A_6 = arith.constant 1 : index
    %get3A_7 = arith.constant 0 : index
    %get3A_8 = arith.constant 0 : index
    %get3A_9 = vector.load %arg2[%get3A_6, %get3A_7, %get3A_8] : memref<2x1000x128xf32, #tpu.memory_space<vmem>>, vector<1x1000x1xf32>
    %get3A_10 = vector.shape_cast %get3A_9 : vector<1x1000x1xf32> to vector<1000x1xf32>
    %add3A_11 = arith.addf %add3A_5, %get3A_10 : vector<1000x1xf32>
    %rsqrt3A = math.rsqrt %add3A_11 : vector<1000x1xf32>
    %get3A_12 = arith.constant 0 : index
    %get3A_13 = arith.constant 0 : index
    %get3A_14 = vector.load %arg1[%get3A_12, %get3A_13] : memref<1000x128xf32, #tpu.memory_space<vmem>>, vector<1000x128xf32>
    %mul3A = vector.broadcast %rsqrt3A : vector<1000x1xf32> to vector<1000x128xf32>
    %mul3A_15 = arith.mulf %get3A_14, %mul3A : vector<1000x128xf32>
    %swap3A = arith.constant 0 : index
    %swap3A_16 = arith.constant 0 : index
    %swap3A_17 = vector.load %arg3[%swap3A, %swap3A_16] : memref<1000x128xf32, #tpu.memory_space<vmem>>, vector<1000x128xf32>
    tpu.vector_store %arg3[%swap3A, %swap3A_16], %mul3A_15 {strides = array<i32>} : memref<1000x128xf32, #tpu.memory_space<vmem>>, vector<1000x128xf32>,
    return
  }
  func.func @transform_0(%arg0: i32) -> (i32, i32) {
    %c0_i32 = arith.constant 0 : i32
    %c0_i32_0 = arith.constant 0 : i32
    return %arg0, %c0_i32 : i32, i32
  }
  func.func @transform_1(%arg0: i32) -> (i32, i32, i32) {
    %c0_i32 = arith.constant 0 : i32
    %c0_i32_0 = arith.constant 0 : i32
    %c0_i32_1 = arith.constant 0 : i32
    return %c0_i32, %arg0, %c0_i32_0 : i32, i32, i32
  }
  func.func @transform_2(%arg0: i32) -> (i32, i32) {
    %c0_i32 = arith.constant 0 : i32
    %c0_i32_0 = arith.constant 0 : i32
    return %arg0, %c0_i32 : i32, i32
  }
}

module attributes {stable_mosaic.version = 14 : i64} {
  func.func @_tc_gru_body(%arg0: i32, %arg1: memref<2x1000x128xf32, #tpu.memory_space<vmem>>, %arg2: memref<2x1000x128xf32, #tpu.memory_space<vmem>>, %arg3: memref<1000x128xf32, #tpu.memory_space<vmem>>, %arg4: memref<1000x128xf32, #tpu.memory_space<vmem>>, %arg5: memref<128x384xf32, #tpu.memory_space<vmem>>, %arg6: memref<128x384xf32, #tpu.memory_space<vmem>>, %arg7: memref<1x384xf32, #tpu.memory_space<vmem>>, %arg8: memref<1x384xf32, #tpu.memory_space<vmem>>, %arg9: memref<1x128xf32, #tpu.memory_space<vmem>>, %arg10: memref<1000x128xf32, #tpu.memory_space<vmem>>) attributes {dimension_semantics = [#tpu.dimension_semantics<arbitrary>], iteration_bounds = array<i64: 10>, scalar_prefetch = 0 : i64, scratch_operands = 0 : i64, tpu.core_type = #tpu.core_type<tc>, window_params = [{transform_indices = @transform_0, window_bounds = array<i64: 2, 1000, 128>}, {transform_indices = @transform_1, window_bounds = array<i64: 2, 1000, 128>}, {transform_indices = @transform_2, window_bounds = array<i64: 1000, 128>}, {transform_indices = @transform_3, window_bounds = array<i64: 1000, 128>}, {pipeline_mode = #tpu.pipeline_mode<synchronous>, transform_indices = @transform_4, window_bounds = array<i64: 128, 384>}, {pipeline_mode = #tpu.pipeline_mode<synchronous>, transform_indices = @transform_5, window_bounds = array<i64: 128, 384>}, {pipeline_mode = #tpu.pipeline_mode<synchronous>, transform_indices = @transform_6, window_bounds = array<i64: 1, 384>}, {pipeline_mode = #tpu.pipeline_mode<synchronous>, transform_indices = @transform_7, window_bounds = array<i64: 1, 384>}, {pipeline_mode = #tpu.pipeline_mode<synchronous>, transform_indices = @transform_8, window_bounds = array<i64: 1, 128>}, {transform_indices = @transform_9, window_bounds = array<i64: 1000, 128>}]} {
    %get3A = arith.constant 0 : index
    %get3A_0 = arith.constant 0 : index
    %get3A_1 = arith.constant 0 : index
    %get3A_2 = vector.load %arg2[%get3A, %get3A_0, %get3A_1] : memref<2x1000x128xf32, #tpu.memory_space<vmem>>, vector<1x1000x1xf32>
    %get3A_3 = vector.shape_cast %get3A_2 : vector<1x1000x1xf32> to vector<1000x1xf32>
    %add3A = arith.constant 1.000000e+00 : f32
    %add3A_4 = vector.broadcast %add3A : f32 to vector<1000x1xf32>
    %add3A_5 = arith.addf %add3A_4, %get3A_3 : vector<1000x1xf32>
    %get3A_6 = arith.constant 1 : index
    %get3A_7 = arith.constant 0 : index
    %get3A_8 = arith.constant 0 : index
    %get3A_9 = vector.load %arg2[%get3A_6, %get3A_7, %get3A_8] : memref<2x1000x128xf32, #tpu.memory_space<vmem>>, vector<1x1000x1xf32>
    %get3A_10 = vector.shape_cast %get3A_9 : vector<1x1000x1xf32> to vector<1000x1xf32>
    %add3A_11 = arith.addf %add3A_5, %get3A_10 : vector<1000x1xf32>
    %rsqrt3A = math.rsqrt %add3A_11 : vector<1000x1xf32>
    %get3A_12 = arith.constant 0 : index
    %get3A_13 = arith.constant 0 : index
    %get3A_14 = arith.constant 0 : index
    %get3A_15 = vector.load %arg1[%get3A_12, %get3A_13, %get3A_14] : memref<2x1000x128xf32, #tpu.memory_space<vmem>>, vector<1x1000x128xf32>
    %get3A_16 = vector.shape_cast %get3A_15 : vector<1x1000x128xf32> to vector<1000x128xf32>
    %get3A_17 = arith.constant 1 : index
    %get3A_18 = arith.constant 0 : index
    %get3A_19 = arith.constant 0 : index
    %get3A_20 = vector.load %arg1[%get3A_17, %get3A_18, %get3A_19] : memref<2x1000x128xf32, #tpu.memory_space<vmem>>, vector<1x1000x128xf32>
    %get3A_21 = vector.shape_cast %get3A_20 : vector<1x1000x128xf32> to vector<1000x128xf32>
    %add3A_22 = arith.addf %get3A_16, %get3A_21 : vector<1000x128xf32>
    %get3A_23 = arith.constant 0 : index
    %get3A_24 = arith.constant 0 : index
    %get3A_25 = vector.load %arg3[%get3A_23, %get3A_24] : memref<1000x128xf32, #tpu.memory_space<vmem>>, vector<1000x128xf32>
    %add3A_26 = arith.addf %add3A_22, %get3A_25 : vector<1000x128xf32>
    %mul3A = vector.broadcast %rsqrt3A : vector<1000x1xf32> to vector<1000x128xf32>
    %mul3A_27 = arith.mulf %mul3A, %add3A_26 : vector<1000x128xf32>
    %get3A_28 = arith.constant 0 : index
    %get3A_29 = arith.constant 0 : index
    %get3A_30 = vector.load %arg9[%get3A_28, %get3A_29] : memref<1x128xf32, #tpu.memory_space<vmem>>, vector<1x128xf32>
    %add3A_31 = vector.broadcast %get3A_30 : vector<1x128xf32> to vector<1000x128xf32>
    %add3A_32 = arith.addf %mul3A_27, %add3A_31 : vector<1000x128xf32>
    %get3A_33 = arith.constant 0 : index
    %get3A_34 = arith.constant 0 : index
    %get3A_35 = vector.load %arg4[%get3A_33, %get3A_34] : memref<1000x128xf32, #tpu.memory_space<vmem>>, vector<1000x128xf32>
    %get3A_36 = arith.constant 0 : index
    %get3A_37 = arith.constant 0 : index
    %get3A_38 = vector.load %arg5[%get3A_36, %get3A_37] : memref<128x384xf32, #tpu.memory_space<vmem>>, vector<128x384xf32>
    %dot_general3A = arith.constant dense<0.000000e+00> : vector<1000x384xf32>
    %dot_general3A_39 = tpu.matmul %add3A_32, %get3A_38, %dot_general3A {dimension_numbers = #tpu.dot_dimension_numbers<[1], [0], [0], [1], [0, 0, 1, 1], [], []>, transpose_lhs_hint = false} : vector<1000x128xf32>, vector<128x384xf32>, vector<1000x384xf32> -> vector<1000x384xf32>
    %get3A_40 = arith.constant 0 : index
    %get3A_41 = arith.constant 0 : index
    %get3A_42 = vector.load %arg7[%get3A_40, %get3A_41] : memref<1x384xf32, #tpu.memory_space<vmem>>, vector<1x384xf32>
    %add3A_43 = vector.broadcast %get3A_42 : vector<1x384xf32> to vector<1000x384xf32>
    %add3A_44 = arith.addf %dot_general3A_39, %add3A_43 : vector<1000x384xf32>
    %get3A_45 = arith.constant 0 : index
    %get3A_46 = arith.constant 0 : index
    %get3A_47 = vector.load %arg6[%get3A_45, %get3A_46] : memref<128x384xf32, #tpu.memory_space<vmem>>, vector<128x384xf32>
    %dot_general3A_48 = arith.constant dense<0.000000e+00> : vector<1000x384xf32>
    %dot_general3A_49 = tpu.matmul %get3A_35, %get3A_47, %dot_general3A_48 {dimension_numbers = #tpu.dot_dimension_numbers<[1], [0], [0], [1], [0, 0, 1, 1], [], []>, transpose_lhs_hint = false} : vector<1000x128xf32>, vector<128x384xf32>, vector<1000x384xf32> -> vector<1000x384xf32>
    %get3A_50 = arith.constant 0 : index
    %get3A_51 = arith.constant 0 : index
    %get3A_52 = vector.load %arg8[%get3A_50, %get3A_51] : memref<1x384xf32, #tpu.memory_space<vmem>>, vector<1x384xf32>
    %add3A_53 = vector.broadcast %get3A_52 : vector<1x384xf32> to vector<1000x384xf32>
    %add3A_54 = arith.addf %dot_general3A_49, %add3A_53 : vector<1000x384xf32>
    %slice3A = vector.extract_strided_slice %add3A_44 {offsets = [0, 0], sizes = [1000, 128], strides = [1, 1]} : vector<1000x384xf32> to vector<1000x128xf32>
    %slice3A_55 = vector.extract_strided_slice %add3A_54 {offsets = [0, 0], sizes = [1000, 128], strides = [1, 1]} : vector<1000x384xf32> to vector<1000x128xf32>
    %add3A_56 = arith.addf %slice3A, %slice3A_55 : vector<1000x128xf32>
    %logistic3A = arith.negf %add3A_56 : vector<1000x128xf32>
    %logistic3A_57 = math.exp %logistic3A : vector<1000x128xf32>
    %logistic3A_58 = arith.constant 1.000000e+00 : f32
    %logistic3A_59 = vector.broadcast %logistic3A_58 : f32 to vector<1000x128xf32>
    %logistic3A_60 = arith.addf %logistic3A_59, %logistic3A_57 : vector<1000x128xf32>
    %logistic3A_61 = arith.divf %logistic3A_59, %logistic3A_60 : vector<1000x128xf32>
    %slice3A_62 = vector.extract_strided_slice %add3A_44 {offsets = [0, 128], sizes = [1000, 128], strides = [1, 1]} : vector<1000x384xf32> to vector<1000x128xf32>
    %slice3A_63 = vector.extract_strided_slice %add3A_54 {offsets = [0, 128], sizes = [1000, 128], strides = [1, 1]} : vector<1000x384xf32> to vector<1000x128xf32>
    %add3A_64 = arith.addf %slice3A_62, %slice3A_63 : vector<1000x128xf32>
    %logistic3A_65 = arith.negf %add3A_64 : vector<1000x128xf32>
    %logistic3A_66 = math.exp %logistic3A_65 : vector<1000x128xf32>
    %logistic3A_67 = arith.constant 1.000000e+00 : f32
    %logistic3A_68 = vector.broadcast %logistic3A_67 : f32 to vector<1000x128xf32>
    %logistic3A_69 = arith.addf %logistic3A_68, %logistic3A_66 : vector<1000x128xf32>
    %logistic3A_70 = arith.divf %logistic3A_68, %logistic3A_69 : vector<1000x128xf32>
    %slice3A_71 = vector.extract_strided_slice %add3A_44 {offsets = [0, 256], sizes = [1000, 128], strides = [1, 1]} : vector<1000x384xf32> to vector<1000x128xf32>
    %slice3A_72 = vector.extract_strided_slice %add3A_54 {offsets = [0, 256], sizes = [1000, 128], strides = [1, 1]} : vector<1000x384xf32> to vector<1000x128xf32>
    %mul3A_73 = arith.mulf %logistic3A_61, %slice3A_72 : vector<1000x128xf32>
    %add3A_74 = arith.addf %slice3A_71, %mul3A_73 : vector<1000x128xf32>
    %tanh3A = math.tanh %add3A_74 : vector<1000x128xf32>
    %sub3A = arith.constant 1.000000e+00 : f32
    %sub3A_75 = vector.broadcast %sub3A : f32 to vector<1000x128xf32>
    %sub3A_76 = arith.subf %sub3A_75, %logistic3A_70 : vector<1000x128xf32>
    %mul3A_77 = arith.mulf %sub3A_76, %tanh3A : vector<1000x128xf32>
    %mul3A_78 = arith.mulf %logistic3A_70, %get3A_35 : vector<1000x128xf32>
    %add3A_79 = arith.addf %mul3A_77, %mul3A_78 : vector<1000x128xf32>
    %swap3A = arith.constant 0 : index
    %swap3A_80 = arith.constant 0 : index
    %swap3A_81 = vector.load %arg10[%swap3A, %swap3A_80] : memref<1000x128xf32, #tpu.memory_space<vmem>>, vector<1000x128xf32>
    tpu.vector_store %arg10[%swap3A, %swap3A_80], %add3A_79 {strides = array<i32>} : memref<1000x128xf32, #tpu.memory_space<vmem>>, vector<1000x128xf32>,
    return
  }
  func.func @transform_0(%arg0: i32) -> (i32, i32, i32) {
    %c0_i32 = arith.constant 0 : i32
    %c0_i32_0 = arith.constant 0 : i32
    %c0_i32_1 = arith.constant 0 : i32
    return %c0_i32, %arg0, %c0_i32_0 : i32, i32, i32
  }
  func.func @transform_1(%arg0: i32) -> (i32, i32, i32) {
    %c0_i32 = arith.constant 0 : i32
    %c0_i32_0 = arith.constant 0 : i32
    %c0_i32_1 = arith.constant 0 : i32
    return %c0_i32, %arg0, %c0_i32_0 : i32, i32, i32
  }
  func.func @transform_2(%arg0: i32) -> (i32, i32) {
    %c0_i32 = arith.constant 0 : i32
    %c0_i32_0 = arith.constant 0 : i32
    return %arg0, %c0_i32 : i32, i32
  }
  func.func @transform_3(%arg0: i32) -> (i32, i32) {
    %c0_i32 = arith.constant 0 : i32
    %c0_i32_0 = arith.constant 0 : i32
    return %arg0, %c0_i32 : i32, i32
  }
  func.func @transform_4(%arg0: i32) -> (i32, i32) {
    %c0_i32 = arith.constant 0 : i32
    %c0_i32_0 = arith.constant 0 : i32
    %c0_i32_1 = arith.constant 0 : i32
    return %c0_i32, %c0_i32_0 : i32, i32
  }
  func.func @transform_5(%arg0: i32) -> (i32, i32) {
    %c0_i32 = arith.constant 0 : i32
    %c0_i32_0 = arith.constant 0 : i32
    %c0_i32_1 = arith.constant 0 : i32
    return %c0_i32, %c0_i32_0 : i32, i32
  }
  func.func @transform_6(%arg0: i32) -> (i32, i32) {
    %c0_i32 = arith.constant 0 : i32
    %c0_i32_0 = arith.constant 0 : i32
    %c0_i32_1 = arith.constant 0 : i32
    return %c0_i32, %c0_i32_0 : i32, i32
  }
  func.func @transform_7(%arg0: i32) -> (i32, i32) {
    %c0_i32 = arith.constant 0 : i32
    %c0_i32_0 = arith.constant 0 : i32
    %c0_i32_1 = arith.constant 0 : i32
    return %c0_i32, %c0_i32_0 : i32, i32
  }
  func.func @transform_8(%arg0: i32) -> (i32, i32) {
    %c0_i32 = arith.constant 0 : i32
    %c0_i32_0 = arith.constant 0 : i32
    %c0_i32_1 = arith.constant 0 : i32
    return %c0_i32, %c0_i32_0 : i32, i32
  }
  func.func @transform_9(%arg0: i32) -> (i32, i32) {
    %c0_i32 = arith.constant 0 : i32
    %c0_i32_0 = arith.constant 0 : i32
    return %arg0, %c0_i32 : i32, i32
  }
}

</mosaic_0001>

<sc_bundles>
// kernel: kernel.10.cloned.1.call-start
scs
__scs_entry_jumppad:
0x0: {  	(pc) =	sbr.rel $0x88, $3  }
0x1: {  	(tag) =	ssettag $0x0;
	lr =	simm.s32 $0x1  }
0x2: {  	[smem:$0x3F98] =	sst lr;
	_ =	strace $0xD0000000  }
0x3: {  	_ = 	snop  }
0x4: {  	_ = 	snop  }
0x5: {  	_ = 	snop  }
0x6: {  	_ = 	snop  }
0x7: {  	_ = 	snop  }
__scs_overlays_trampoline_lowered:
0x8: {  	[smem:$0x3FA7] =	sst s0  }
0x9: {  	[smem:$0x3FA8] =	sst s1  }
0xa: {  	[smem:$0x3FA9] =	sst s2  }
0xb: {  	[smem:$0x3FAA] =	sst s3  }
0xc: {  	[smem:$0x3FAB] =	sst s4  }
0xd: {  	[smem:$0x3FAC] =	sst s5  }
0xe: {  	[smem:$0x3FAD] =	sst s6  }
0xf: {  	[smem:$0x3FAE] =	sst s7  }
0x10: {  	[smem:$0x3FAF] =	sst s8  }
0x11: {  	[smem:$0x3FB0] =	sst s9;
	s0 =	simm.s32 @!p0 $0x0  }
0x12: {  	s1 =	sld [smem:$0x3F96];
	s0 =	simm.s32 @p0 $0x1  }
0x13: {  	[smem:$0x3FB1] =	sst s0;
	s0 =	simm.s32 @!p1 $0x0  }
0x14: {  	s2 =	sld [smem:$0x3F95];
	s0 =	simm.s32 @p1 $0x1  }
0x15: {  	[smem:$0x3FB2] =	sst s0;
	s0 =	simm.s32 @!p2 $0x0  }
0x16: {  	s3 =	sld [smem:$0x3FDB];
	s0 =	simm.s32 @p2 $0x1  }
0x17: {  	s4 =	simm.s32 $0x1BF5;
	[smem:$0x3FB4] =	sst s0  }
0x18: {  	s0 =	sld [smem:$0x3F97];
	_ =	swait.ge [sflag:s4], $0x0  }
0x19: {  	s7 =	sld [smem:$0x3F98]  }
0x1a: {  	s8 =	sadd.s32 $0xFFFFE003, lr  }
0x1b: {  	s9 =	sadd.s32 $0xFFFFFEF7, lr;
	s5 =	simm.s32 $0xFFFFFFFF;
	p2 =	slt.u32 s8, $0xFFFFF086  }
0x1c: {  	p1 =	slt.u32 s9, $0xF7A;
	s5 =	simm.s32 @!p2 $0x0  }
0x1d: {  	s5 =	simm.s32 @p1 $0x1;
	p0 =	seq.s32 s7, s2  }
0x1e: {  	s7 =	smul.u32 @!p0 $0xF7A, s2;
	p2 =	seq.s32 @!p0 s5, $0x0  }
0x1f: {  	s9 =	smul.u32 $0xF7A, s1;
	s8 =	simm.s32 @!p0 $0x1BF5;
	p2 =	por !p2, p0  }
0x20: {  	[sflag:s8] =	ssyncset.s32 @!p0 $0xFFFFF086;
	s6 =	sadd.s32 @!p0 s3, s7;
	s7 =	simm.s32 @!p0 $0x108  }
0x21: {  	s3 =	sadd.s32 s3, s9;
	s6 =	sadd.s32 @!p0 $0x88, s6;
	s7 =	simm.s32 @p2 $0x1082  }
0x22: {  	[simem:s7], [sflag:s8] =	dma.local @!p0 [hbm:s6], $0xF7A  }
0x23: {  	s9 =	sor.u32 $0xD0000000, s2;
	s6 =	simm.s32 $0x108;
	_ =	swait.ge @!p0 [sflag:s8], $0x0  }
0x24: {  	s3 =	sadd.s32 $0x88, s3;
	s6 =	simm.s32 @!p1 $0x1082;
	[sflag:s4] =	ssyncset.s32 $0xFFFFF086  }
0x25: {  	[simem:s6], [sflag:s4] =	dma.local [hbm:s3], $0xF7A  }
0x26: {  	[smem:$0x3F98] =	sst s1;
	(tag) =	ssettag s2;
	_ =	strace s9  }
0x27: {  	s1 =	sld [smem:$0x3FA8]  }
0x28: {  	s2 =	sld [smem:$0x3FA9]  }
0x29: {  	s4 =	sld [smem:$0x3FAB]  }
0x2a: {  	p0 =	seq.s32 s5, $0x0;
	s5 =	sld [smem:$0x3FAC]  }
0x2b: {  	s6 =	sld [smem:$0x3FAD]  }
0x2c: {  	s7 =	sld [smem:$0x3FAE]  }
0x2d: {  	s3 =	simm.s32 $0x108;
	s8 =	sld [smem:$0x3FAF]  }
0x2e: {  	s3 =	simm.s32 @!p0 $0x1082;
	s9 =	sld [smem:$0x3FB0]  }
0x2f: {  	lr =	sadd.s32 s0, s3;
	s0 =	sld [smem:$0x3FA7]  }
0x30: {  	s3 =	sld [smem:$0x3FAA]  }
0x31: {  	[smem:$0x3FB3] =	sst s10  }
0x32: {  	s10 =	sld [smem:$0x3FB1];
	_ =	sdelay $0x3  }
0x33: {  	p0 =	seq.s32 s10, $0x1;
	s10 =	sld [smem:$0x3FB3];
	_ =	sdelay $0x3  }
0x34: {  	[smem:$0x3FB3] =	sst s10  }
0x35: {  	s10 =	sld [smem:$0x3FB2];
	_ =	sdelay $0x3  }
0x36: {  	p1 =	seq.s32 s10, $0x1;
	s10 =	sld [smem:$0x3FB3];
	_ =	sdelay $0x3  }
0x37: {  	[smem:$0x3FB3] =	sst s10  }
0x38: {  	s10 =	sld [smem:$0x3FB4]  }
0x39: {  	_ = 	snop;
	(pc) =	sbr.ind lr, $3  }
0x3a: {  	_ = 	snop  }
0x3b: {  	_ = 	snop  }
0x3c: {  	p2 =	seq.s32 s10, $0x1;
	s10 =	sld [smem:$0x3FB3]  }
0x3d: {  	_ =	shalt  }
0x3e: {  	_ =	shalt  }
0x3f: {  	_ =	shalt  }
0x40: {  	_ =	shalt  }
0x41: {  	_ =	shalt  }
0x42: {  	_ =	shalt  }
0x43: {  	_ =	shalt  }
0x44: {  	_ =	shalt  }
0x45: {  	_ =	shalt  }
0x46: {  	_ =	shalt  }
0x47: {  	_ =	shalt  }
0x48: {  	_ =	shalt  }
0x49: {  	_ =	shalt  }
0x4a: {  	_ =	shalt  }
0x4b: {  	_ =	shalt  }
0x4c: {  	_ =	shalt  }
0x4d: {  	_ =	shalt  }
0x4e: {  	_ =	shalt  }
0x4f: {  	_ =	shalt  }
0x50: {  	_ =	shalt  }
0x51: {  	_ =	shalt  }
0x52: {  	_ =	shalt  }
0x53: {  	_ =	shalt  }
0x54: {  	_ =	shalt  }
0x55: {  	_ =	shalt  }
0x56: {  	_ =	shalt  }
0x57: {  	_ =	shalt  }
0x58: {  	_ =	shalt  }
0x59: {  	_ =	shalt  }
0x5a: {  	_ =	shalt  }
0x5b: {  	_ =	shalt  }
0x5c: {  	_ =	shalt  }
0x5d: {  	_ =	shalt  }
0x5e: {  	_ =	shalt  }
0x5f: {  	_ =	shalt  }
0x60: {  	_ =	shalt  }
0x61: {  	_ =	shalt  }
0x62: {  	_ =	shalt  }
0x63: {  	_ =	shalt  }
0x64: {  	_ =	shalt  }
0x65: {  	_ =	shalt  }
0x66: {  	_ =	shalt  }
0x67: {  	_ =	shalt  }
0x68: {  	_ =	shalt  }
0x69: {  	_ =	shalt  }
0x6a: {  	_ =	shalt  }
0x6b: {  	_ =	shalt  }
0x6c: {  	_ =	shalt  }
0x6d: {  	_ =	shalt  }
0x6e: {  	_ =	shalt  }
0x6f: {  	_ =	shalt  }
0x70: {  	_ =	shalt  }
0x71: {  	_ =	shalt  }
0x72: {  	_ =	shalt  }
0x73: {  	_ =	shalt  }
0x74: {  	_ =	shalt  }
0x75: {  	_ =	shalt  }
0x76: {  	_ =	shalt  }
0x77: {  	_ =	shalt  }
0x78: {  	_ =	shalt  }
0x79: {  	_ =	shalt  }
0x7a: {  	_ =	shalt  }
0x7b: {  	_ =	shalt  }
0x7c: {  	_ =	shalt  }
0x7d: {  	_ =	shalt  }
0x7e: {  	_ =	shalt  }
0x7f: {  	_ =	shalt  }
0x80: {  	_ =	shalt  }
0x81: {  	_ =	shalt  }
0x82: {  	_ =	shalt  }
0x83: {  	_ =	shalt  }
0x84: {  	_ =	shalt  }
0x85: {  	_ =	shalt  }
0x86: {  	_ =	shalt  }
0x87: {  	_ =	shalt  }
.Lfunc_end0:
.L_simem_size_0:
called_computation.1_lowered:
.L_overlay_start_0:
0x88: {  	s2 =	sld [smem:$0x3FD9]  }
0x89: {  	s3 =	sld [smem:$0x3FFE];
	_ =	sdelay $0x1  }
0x8a: {  	s1 =	srdreg.scid  }
0x8b: {  	s0 =	sand.u32 $0x1, s1  }
0x8c: {  	s17 =	sshll.u32 s0, $0xA;
	s2 =	sadd.s32 s3, s2  }
0x8d: {  	s2 =	sadd.s32 s2, s17  }
0x8e: {  	[smem:$0x3FBF] =	sst s2  }
0x8f: {  	_ = 	snop  }
0x90: {  	s2 =	sld [smem:$0x3FD0];
	(tm) =	ssettm $0x1  }
0x91: {  	s18 =	sld [smem:$0x3FFB];
	_ =	sdelay $0x3  }
0x92: {  	_ =	strace s18  }
0x93: {  	s3 =	sld [smem:$0x3FFC];
	_ =	sdelay $0x3  }
0x94: {  	_ =	strace s3  }
0x95: {  	s3 =	sld [smem:$0x3FFD];
	_ =	sdelay $0x3  }
0x96: {  	_ =	strace s3  }
0x97: {  	_ =	strace $0x8FFFFFFF  }
0x98: {  	s19 =	sld [smem:$0x3FDB];
	_ =	sdelay $0x1  }
0x99: {  	s4 =	simm.s32 $_scs_section_size  }
0x9a: {  	s5 =	simm.s32 $_size__tile_overlayer_lowered;
	s6 =	simm.s32 $_tile_overlayer_lowered  }
0x9b: {  	s22 =	simm.s32 $0x1BFF;
	s21 =	sshll.u32 s6, $0x1;
	s3 =	sadd.s32 s4, s19  }
0x9c: {  	s7 =	simm.s32 $0x0;
	s20 =	sshll.u32 s5, $0x1;
	s5 =	sadd.s32 s21, s3  }
0x9d: {  	[timem:s7], [sflag:s22] =	dma.local [hbm:s5], s20  }
0x9e: {  	_ =	swait.ge [sflag:s22], s20  }
0x9f: {  	s4 =	ssub.s32 $0x0, s20;
	[sflag:s22] =	ssyncset.done $0x0  }
0xa0: {  	[sflag:s22] =	ssyncadd.s32 s4;
	_ =	sdelay $0x1  }
0xa1: {  	s23 =	simm.s32 $0x1B8B  }
0xa2: {  	_ =	swait.ge [sflag:s23], $0x1  }
0xa3: {  	[sflag:s23] =	ssyncset.done $0x0  }
0xa4: {  	s25 =	simm.s32 $0x1B8E;
	s24 =	sld [smem:$0x3FFE];
	[sflag:s23] =	ssyncadd.s32 $0xFFFFFFFF  }
0xa5: {  	s26 =	simm.s32 $execute0_lowered;
	[smem:$0x3FD2] =	sst s25  }
0xa6: {  	s5 =	sshll.u32 s26, $0x1;
	_ =	strace $0x80000049;
	[dreg:$0x1] =	wrdreg $0xFFFFFFFF  }
0xa7: {  	s28 =	simm.s32 $_size_execute0_lowered;
	s3 =	sadd.s32 s3, s5;
	[dreg:$0x0] =	wrdreg $0x0  }
0xa8: {  	s5 =	sshll.u32 s28, $0x1;
	[dreg:$0x2] =	wrdreg s3  }
0xa9: {  	[dreg:$0x3] =	wrdreg s5  }
0xaa: {  	[dreg:$0x4] =	wrdreg $0xC0  }
0xab: {  	_ =	task [dreg:s7], $0x5FFFF  }
0xac: {  	[dreg:$0x1] =	wrdreg $0xFFFFFFFF  }
0xad: {  	[dreg:$0x0] =	wrdreg $0x60  }
0xae: {  	[dreg:$0x2] =	wrdreg s24  }
0xaf: {  	[dreg:$0x3] =	wrdreg s2  }
0xb0: {  	[dreg:$0x4] =	wrdreg $0xBC000  }
0xb1: {  	[dreg:$0x5] =	wrdreg $0x9  }
0xb2: {  	_ =	task.clear_ibuf [dreg:s7], $0x6FFFF;
	_ =	strace $0x90000049  }
0xb3: {  	s29 =	simm.s32 $0x9;
	_ =	strace $0x8000004B  }
0xb4: {  	_ =	swait.ge [sflag:s29], $0x1  }
0xb5: {  	[sflag:s29] =	ssyncadd.s32 $0xFFFFFFFF  }
0xb6: {  	_ =	strace $0x9000004B  }
0xb7: {  	_ =	sfence  }
0xb8: {  	s30 =	sld [smem:$0x0];
	_ =	sdelay $0x2  }
0xb9: {  	s31 =	sshll.u32 s1, $0xD;
	s1 =	sshrl.u32 s1, $0x2  }
0xba: {  	s3 =	sand.u32 $0x4000, s31;
	s1 =	sadd.s32 s1, s30  }
0xbb: {  	s0 =	sor.u32 s3, s0;
	s1 =	sshll.u32 s1, $0x11  }
0xbc: {  	s0 =	sor.u32 s1, s0  }
0xbd: {  	s0 =	sadd.s32 $0x8F2B, s0  }
0xbe: {  	[sflag:s0] =	ssyncadd.remote.s32 $0x1  }
0xbf: {  	_ =	sfence.sel $0xFFFF  }
0xc0: {  	[dreg:$0x0] =	wrdreg $0xFFFFFFFF;
	(pc) =	sbr.abs _section_cstart, $3  }
0xc1: {  	[dreg:$0x1] =	wrdreg $0xFFFFFFFF  }
0xc2: {  	_ =	task.clear_ibuf [dreg:s7], $0x2FFFF;
	_ =	strace $0x9FFFFFFF  }
0xc3: {  	(tm) =	ssettm $0x7FFFFFFF  }
tec
execute0_lowered:
.L_overlay_start_1:
0x0: {  	(tag) =	ssettag $0x1  }
0x1: {  	s0 =	rddreg [dreg:$0x0]  }
0x2: {  	s1 =	rddreg [dreg:$0x1]  }
0x3: {  	s2 =	rddreg [dreg:$0x2]  }
0x4: {  	s3 =	srdreg.scid;
	s5 =	simm.s32 $0x0;
	s9 =	stileid.u32  }
0x5: {  	s28 =	simm.s32 $0xA800;
	s29 =	simm.s32 $0x3;
	s30 =	simm.s32 $0x1400  }
0x6: {  	s31 =	simm.s32 $0x80;
	s10 =	simm.s32 $0x0;
	s15 =	smul.u32 $0x4F000, s9  }
0x7: {  	s3 =	sand.u32 $0x1, s3;
	[smem:$0x7FF] =	sst s5;
	s14 =	smul.u32 $0x13C00, s9  }
0x8: {  	s6 =	sadd.s32 $0x2C00, s0;
	s7 =	sadd.s32 $0xCC00, s0;
	s5 =	sshrl.u32 s15, $0x2  }
0x9: {  	s4 =	smul.u32 $0x13C000, s3;
	_ =	strace $0x8000004A;
	s5 =	sadd.s32 s5, s2  }
0xa: {  	s8 =	ssub.s32 $0x2, s3;
	s3 =	sshll.u32 s3, $0x4;
	s17 =	sadd.s32 $0x12C00, s5  }
0xb: {  	s16 =	sshrl.u32 s8, $0x1;
	s19 =	sadd.s32 $0x1400, s5;
	[dreg:$0x4] =	wrdreg s17  }
0xc: {  	s3 =	sor.u32 s9, s3;
	s20 =	sadd.s32 $0x2800, s5;
	[dreg:$0x7] =	wrdreg s19  }
0xd: {  	s9 =	simm.s32 $0x2780;
	s21 =	sadd.s32 $0x3C00, s5;
	[dreg:$0x8] =	wrdreg s20  }
0xe: {  	s4 =	sadd.s32 s14, s4;
	s22 =	sadd.s32 $0x5000, s5;
	[dreg:$0x9] =	wrdreg s21  }
0xf: {  	s26 =	smul.u32 $0x500, s3;
	s23 =	sadd.s32 $0x6400, s5;
	[dreg:$0xa] =	wrdreg s22  }
0x10: {  	s4 =	sshrl.u32 s4, $0x3;
	s24 =	sadd.s32 $0x7800, s5;
	[dreg:$0xb] =	wrdreg s23  }
0x11: {  	s25 =	sadd.s32 $0x8C00, s5;
	s0 =	sadd.s32 s4, s0;
	[dreg:$0xc] =	wrdreg s24  }
0x12: {  	s4 =	ssub.s32 s8, s16;
	[dreg:$0xd] =	wrdreg s25;
	s16 =	sadd.s32 $0xA000, s5  }
0x13: {  	s17 =	sadd.s32 $0xB400, s5;
	s19 =	sadd.s32 $0xDC00, s5;
	s20 =	sadd.s32 $0xF000, s5  }
0x14: {  	s3 =	sadd.s32 $0x280, s26;
	s21 =	sadd.s32 s6, s26;
	s22 =	sadd.s32 s7, s26  }
0x15: {  	s25 =	sadd.s32 $0x10400, s5;
	s26 =	sadd.s32 $0x11800, s5;
	s8 =	simm.s32 $0x2700  }
0x16: {  	s0 =	sadd.s32 $0x65C00, s0;
	s18 =	smax.u32 s4, $0x1;
	s23 =	sadd.s32 s6, s3  }
0x17: {  	s24 =	sadd.s32 s7, s3;
	s3 =	simm.s32 $0x6800;
	s4 =	simm.s32 $0x1  }
0x18: {  	s6 =	simm.s32 $0x2;
	s7 =	simm.s32 $0x1380;
	[dreg:$0x5] =	wrdreg s0  }
0x19: {  	v0 =	vimm.f32 $0.0e+00;
	[dreg:$0x6] =	wrdreg s18;
	s18 =	sadd.s32 $0xC800, s5;
	s0 =	simm.s32 $0x2800  }
.LBB2_1:
0x1a: {  	s12 =	simm.s32 $0x0  }
0x1b: {  	s11 =	sand.u32 $0x7E00, s12  }
0x1c: {  	s12 =	sand.u32 $0x70, s12;
	s13 =	sshrl.u32 s11, $0x2  }
0x1d: {  	s11 =	simm.s32 $0x40;
	s13 =	sor.u32 s12, s13;
	s12 =	simm.s32 $0x0  }
.LBB2_2:
0x1e: {  	p0 =	sne.s32 s11, $0x4FC0  }
0x1f: {  	[tilespmem:s13+$0xA800] =	vst v0;
	s12 =	sadd.s32 $0x10, s12;
	s13 =	smov.u32 s11;
	s11 =	sadd.s32 $0x40, s11  }
.Ltmp0:
0x20: {  	(pc) =	sbr.rel @p0 .LBB2_2-.Ltmp0, $4  }
0x21: {  	_ = 	snop  }
0x22: {  	s13 =	sand.u32 $0x7E00, s13  }
0x23: {  	s14 =	sand.u32 $0x70, s12;
	s13 =	sshrl.u32 s13, $0x2  }
0x24: {  	s13 =	sor.u32 s14, s13  }
0x25: {  	[tilespmem:s13+$0xA800] =	vst v0  }
0x26: {  	[spmem:s5] =	stream.linear.scatter [tilespmem:s28], [sflag:$0x3], $0x1400, $0x38;
	[tilespmem:$0x1F800] =	vst v63  }
0x27: {  	_ =	swait.ge [sflag:s29], $0x1400  }
0x28: {  	[sflag:s29] =	ssyncset.done $0x0  }
0x29: {  	s11 =	rddreg [dreg:$0x7];
	[sflag:s29] =	ssyncadd.s32 $0xFFFFEC00  }
0x2a: {  	[spmem:s11] =	stream.linear.scatter [tilespmem:s28], [sflag:$0x3], $0x1400, $0x38;
	[tilespmem:$0x1F800] =	vst v63  }
0x2b: {  	_ =	swait.ge [sflag:s29], $0x1400  }
0x2c: {  	[sflag:s29] =	ssyncset.done $0x0  }
0x2d: {  	s12 =	rddreg [dreg:$0x8];
	[sflag:s29] =	ssyncadd.s32 $0xFFFFEC00  }
0x2e: {  	[spmem:s12] =	stream.linear.scatter [tilespmem:s28], [sflag:$0x3], $0x1400, $0x38;
	[tilespmem:$0x1F800] =	vst v63  }
0x2f: {  	_ =	swait.ge [sflag:s29], $0x1400  }
0x30: {  	[sflag:s29] =	ssyncset.done $0x0  }
0x31: {  	s13 =	rddreg [dreg:$0x9];
	[sflag:s29] =	ssyncadd.s32 $0xFFFFEC00  }
0x32: {  	[spmem:s13] =	stream.linear.scatter [tilespmem:s28], [sflag:$0x3], $0x1400, $0x38;
	[tilespmem:$0x1F800] =	vst v63  }
0x33: {  	_ =	swait.ge [sflag:s29], $0x1400  }
0x34: {  	[sflag:s29] =	ssyncset.done $0x0  }
0x35: {  	s14 =	rddreg [dreg:$0xa];
	[sflag:s29] =	ssyncadd.s32 $0xFFFFEC00  }
0x36: {  	[spmem:s14] =	stream.linear.scatter [tilespmem:s28], [sflag:$0x3], $0x1400, $0x38;
	[tilespmem:$0x1F800] =	vst v63  }
0x37: {  	_ =	swait.ge [sflag:s29], $0x1400  }
0x38: {  	[sflag:s29] =	ssyncset.done $0x0  }
0x39: {  	s15 =	rddreg [dreg:$0xb];
	[sflag:s29] =	ssyncadd.s32 $0xFFFFEC00  }
0x3a: {  	[spmem:s15] =	stream.linear.scatter [tilespmem:s28], [sflag:$0x3], $0x1400, $0x38;
	[tilespmem:$0x1F800] =	vst v63  }
0x3b: {  	_ =	swait.ge [sflag:s29], $0x1400  }
0x3c: {  	[sflag:s29] =	ssyncset.done $0x0  }
0x3d: {  	s12 =	rddreg [dreg:$0xc];
	[sflag:s29] =	ssyncadd.s32 $0xFFFFEC00  }
0x3e: {  	[spmem:s12] =	stream.linear.scatter [tilespmem:s28], [sflag:$0x3], $0x1400, $0x38;
	[tilespmem:$0x1F800] =	vst v63  }
0x3f: {  	_ =	swait.ge [sflag:s29], $0x1400  }
0x40: {  	[sflag:s29] =	ssyncset.done $0x0  }
0x41: {  	s13 =	rddreg [dreg:$0xd];
	[sflag:s29] =	ssyncadd.s32 $0xFFFFEC00  }
0x42: {  	[spmem:s13] =	stream.linear.scatter [tilespmem:s28], [sflag:$0x3], $0x1400, $0x38;
	[tilespmem:$0x1F800] =	vst v63  }
0x43: {  	_ =	swait.ge [sflag:s29], $0x1400  }
0x44: {  	[sflag:s29] =	ssyncset.done $0x0  }
0x45: {  	[sflag:s29] =	ssyncadd.s32 $0xFFFFEC00  }
0x46: {  	[spmem:s16] =	stream.linear.scatter [tilespmem:s28], [sflag:$0x3], $0x1400, $0x38;
	[tilespmem:$0x1F800] =	vst v63  }
0x47: {  	_ =	swait.ge [sflag:s29], $0x1400  }
0x48: {  	[sflag:s29] =	ssyncset.done $0x0  }
0x49: {  	[sflag:s29] =	ssyncadd.s32 $0xFFFFEC00  }
0x4a: {  	[spmem:s17] =	stream.linear.scatter [tilespmem:s28], [sflag:$0x3], $0x1400, $0x38;
	[tilespmem:$0x1F800] =	vst v63  }
0x4b: {  	_ =	swait.ge [sflag:s29], $0x1400  }
0x4c: {  	[sflag:s29] =	ssyncset.done $0x0  }
0x4d: {  	[sflag:s29] =	ssyncadd.s32 $0xFFFFEC00  }
0x4e: {  	[spmem:s18] =	stream.linear.scatter [tilespmem:s28], [sflag:$0x3], $0x1400, $0x38;
	[tilespmem:$0x1F800] =	vst v63  }
0x4f: {  	_ =	swait.ge [sflag:s29], $0x1400  }
0x50: {  	[sflag:s29] =	ssyncset.done $0x0  }
0x51: {  	[sflag:s29] =	ssyncadd.s32 $0xFFFFEC00  }
0x52: {  	[spmem:s19] =	stream.linear.scatter [tilespmem:s28], [sflag:$0x3], $0x1400, $0x38;
	[tilespmem:$0x1F800] =	vst v63  }
0x53: {  	_ =	swait.ge [sflag:s29], $0x1400  }
0x54: {  	[sflag:s29] =	ssyncset.done $0x0  }
0x55: {  	[sflag:s29] =	ssyncadd.s32 $0xFFFFEC00  }
0x56: {  	[spmem:s20] =	stream.linear.scatter [tilespmem:s28], [sflag:$0x3], $0x1400, $0x38;
	[tilespmem:$0x1F800] =	vst v63  }
0x57: {  	_ =	swait.ge [sflag:s29], $0x1400  }
0x58: {  	[sflag:s29] =	ssyncset.done $0x0  }
0x59: {  	[sflag:s29] =	ssyncadd.s32 $0xFFFFEC00  }
0x5a: {  	[spmem:s25] =	stream.linear.scatter [tilespmem:s28], [sflag:$0x3], $0x1400, $0x38;
	[tilespmem:$0x1F800] =	vst v63  }
0x5b: {  	_ =	swait.ge [sflag:s29], $0x1400  }
0x5c: {  	[sflag:s29] =	ssyncset.done $0x0  }
0x5d: {  	[sflag:s29] =	ssyncadd.s32 $0xFFFFEC00  }
0x5e: {  	[spmem:s26] =	stream.linear.scatter [tilespmem:s28], [sflag:$0x3], $0x1400, $0x38;
	[tilespmem:$0x1F800] =	vst v63  }
0x5f: {  	_ =	swait.ge [sflag:s29], $0x1400  }
0x60: {  	[sflag:s29] =	ssyncset.done $0x0  }
0x61: {  	s14 =	rddreg [dreg:$0x4];
	[sflag:s29] =	ssyncadd.s32 $0xFFFFEC00  }
0x62: {  	[spmem:s14] =	stream.linear.scatter [tilespmem:s28], [sflag:$0x3], $0x1000, $0x38;
	[tilespmem:$0x1F800] =	vst v63  }
0x63: {  	_ =	swait.ge [sflag:s29], $0x1000  }
0x64: {  	[sflag:s29] =	ssyncset.done $0x0  }
0x65: {  	[sflag:s29] =	ssyncadd.s32 $0xFFFFF000  }
0x66: {  	s15 =	simm.s32 $0x0;
	[bflag:$0x0] =	sbarrier.arrive $0xFFFF  }
0x67: {  	[tilespmem:s15], [sflag:$0x3] =	stream.linear.gather [hbm4b:s21+s15], $0x1400, $0x38;
	[tilespmem:$0x1F800] =	vst v63  }
0x68: {  	_ =	swait.ge [sflag:s29], $0x1400  }
0x69: {  	[sflag:s29] =	ssyncset.done $0x0  }
0x6a: {  	[sflag:s29] =	ssyncadd.s32 $0xFFFFEC00  }
0x6b: {  	[tilespmem:s30], [sflag:$0x3] =	stream.linear.gather [hbm4b:s22+s15], $0x1400, $0x38;
	[tilespmem:$0x1F800] =	vst v63  }
0x6c: {  	_ =	swait.ge [sflag:s29], $0x1400  }
0x6d: {  	[sflag:s29] =	ssyncset.done $0x0  }
0x6e: {  	[sflag:s29] =	ssyncadd.s32 $0xFFFFEC00  }
0x6f: {  	[tilespmem:s0], [sflag:$0x1] =	stream.indirect.gather [hbm4b:s1+s31], $0x80, s15, s31, $0xb8;
	[tilespmem:$0x1F800] =	vst v63  }
0x70: {  	s12 =	simm.s32 $0x80  }
0x71: {  	[tilespmem:s3], [sflag:$0x2] =	stream.indirect.gather [hbm4b:s1+s31], $0x80, s12, s31, $0xb8;
	[tilespmem:$0x1F800] =	vst v63  }
0x72: {  	_ =	swait.ge [sflag:s4], $0x4000  }
0x73: {  	[sflag:s4] =	ssyncset.done $0x0  }
0x74: {  	s13 =	simm.s32 $0x1400;
	[sflag:s4] =	ssyncadd.s32 $0xFFFFC000  }
0x75: {  	[spmem:s2] =	stream.indirect.scatter.add.f32 [tilespmem:s0], [sflag:$0x3], $0x80, s13, s31, $0xb8;
	[tilespmem:$0x1F800] =	vst v63  }
0x76: {  	_ =	swait.ge [sflag:s29], $0x4000  }
0x77: {  	[sflag:s29] =	ssyncset.done $0x0  }
0x78: {  	s14 =	simm.s32 $0x100;
	[sflag:s29] =	ssyncadd.s32 $0xFFFFC000  }
0x79: {  	[tilespmem:s0], [sflag:$0x1] =	stream.indirect.gather [hbm4b:s1+s31], $0x80, s14, s31, $0xb8;
	[tilespmem:$0x1F800] =	vst v63  }
0x7a: {  	_ =	swait.ge [sflag:s6], $0x4000  }
0x7b: {  	[sflag:s6] =	ssyncset.done $0x0  }
0x7c: {  	s15 =	simm.s32 $0x1480;
	[sflag:s6] =	ssyncadd.s32 $0xFFFFC000  }
0x7d: {  	[spmem:s2] =	stream.indirect.scatter.add.f32 [tilespmem:s3], [sflag:$0x3], $0x80, s15, s31, $0xb8;
	[tilespmem:$0x1F800] =	vst v63  }
0x7e: {  	_ =	swait.ge [sflag:s29], $0x4000  }
0x7f: {  	s11 =	simm.s32 $0x100;
	s12 =	simm.s32 $0x800;
	[sflag:s29] =	ssyncset.done $0x0  }
.LBB2_4:
0x80: {  	s13 =	sadd.s32 $0x80, s11  }
0x81: {  	[sflag:s29] =	ssyncadd.s32 $0xFFFFC000;
	s14 =	smov.u32 s12;
	s15 =	sadd.s32 $0x400, s12  }
0x82: {  	[tilespmem:s3], [sflag:$0x2] =	stream.indirect.gather [hbm4b:s1+s31], $0x80, s13, s31, $0xb8;
	[tilespmem:$0x1F800] =	vst v63  }
0x83: {  	p0 =	sne.s32 s12, $0x4800;
	_ =	swait.ge [sflag:s4], $0x4000  }
0x84: {  	[sflag:s4] =	ssyncset.done $0x0  }
0x85: {  	s12 =	sadd.s32 $0x1400, s11;
	[sflag:s4] =	ssyncadd.s32 $0xFFFFC000  }
0x86: {  	[spmem:s2] =	stream.indirect.scatter.add.f32 [tilespmem:s0], [sflag:$0x3], $0x80, s12, s31, $0xb8;
	[tilespmem:$0x1F800] =	vst v63  }
0x87: {  	_ =	swait.ge [sflag:s29], $0x4000  }
0x88: {  	[sflag:s29] =	ssyncset.done $0x0  }
0x89: {  	s12 =	sadd.s32 $0x100, s11;
	[sflag:s29] =	ssyncadd.s32 $0xFFFFC000  }
0x8a: {  	[tilespmem:s0], [sflag:$0x1] =	stream.indirect.gather [hbm4b:s1+s31], $0x80, s12, s31, $0xb8;
	[tilespmem:$0x1F800] =	vst v63  }
0x8b: {  	_ =	swait.ge [sflag:s6], $0x4000  }
.Ltmp1:
0x8c: {  	[sflag:s6] =	ssyncset.done $0x0;
	(pc) =	sbr.rel @p0 .LBB2_4-.Ltmp1, $4  }
0x8d: {  	s11 =	sadd.s32 $0x1480, s11;
	[sflag:s6] =	ssyncadd.s32 $0xFFFFC000  }
0x8e: {  	[spmem:s2] =	stream.indirect.scatter.add.f32 [tilespmem:s3], [sflag:$0x3], $0x80, s11, s31, $0xb8;
	[tilespmem:$0x1F800] =	vst v63  }
0x8f: {  	_ =	swait.ge [sflag:s29], $0x4000  }
0x90: {  	s12 =	smov.u32 s15;
	s11 =	sshra.s32 s14, $0x2;
	[sflag:s29] =	ssyncset.done $0x0  }
0x91: {  	s12 =	sadd.s32 $0x80, s11;
	[sflag:s29] =	ssyncadd.s32 $0xFFFFC000  }
0x92: {  	[tilespmem:s3], [sflag:$0x2] =	stream.indirect.gather [hbm4b:s1+s31], $0x80, s12, s31, $0xb8;
	[tilespmem:$0x1F800] =	vst v63  }
0x93: {  	_ =	swait.ge [sflag:s4], $0x4000  }
0x94: {  	[sflag:s4] =	ssyncset.done $0x0  }
0x95: {  	s15 =	sadd.s32 $0x1400, s11;
	[sflag:s4] =	ssyncadd.s32 $0xFFFFC000  }
0x96: {  	[spmem:s2] =	stream.indirect.scatter.add.f32 [tilespmem:s0], [sflag:$0x3], $0x80, s15, s31, $0xb8;
	[tilespmem:$0x1F800] =	vst v63  }
0x97: {  	_ =	swait.ge [sflag:s29], $0x4000  }
0x98: {  	[sflag:s29] =	ssyncset.done $0x0  }
0x99: {  	s13 =	sadd.s32 $0x100, s11;
	[sflag:s29] =	ssyncadd.s32 $0xFFFFC000  }
0x9a: {  	[tilespmem:s0], [sflag:$0x1] =	stream.indirect.gather [hbm4b:s1+s31], $0x80, s13, s31, $0xb8;
	[tilespmem:$0x1F800] =	vst v63  }
0x9b: {  	_ =	swait.ge [sflag:s6], $0x4000  }
0x9c: {  	[sflag:s6] =	ssyncset.done $0x0  }
0x9d: {  	s14 =	sadd.s32 $0x1480, s11;
	[sflag:s6] =	ssyncadd.s32 $0xFFFFC000  }
0x9e: {  	[spmem:s2] =	stream.indirect.scatter.add.f32 [tilespmem:s3], [sflag:$0x3], $0x80, s14, s31, $0xb8;
	[tilespmem:$0x1F800] =	vst v63  }
0x9f: {  	_ =	swait.ge [sflag:s29], $0x4000  }
0xa0: {  	[sflag:s29] =	ssyncset.done $0x0  }
0xa1: {  	[sflag:s29] =	ssyncadd.s32 $0xFFFFC000  }
0xa2: {  	[tilespmem:s3], [sflag:$0x2] =	stream.indirect.gather [hbm4b:s1+s31], $0x80, s7, s31, $0xb8;
	[tilespmem:$0x1F800] =	vst v63  }
0xa3: {  	_ =	swait.ge [sflag:s4], $0x4000  }
0xa4: {  	[sflag:s4] =	ssyncset.done $0x0  }
0xa5: {  	[sflag:s4] =	ssyncadd.s32 $0xFFFFC000  }
0xa6: {  	[spmem:s2] =	stream.indirect.scatter.add.f32 [tilespmem:s0], [sflag:$0x3], $0x80, s8, s31, $0xb8;
	[tilespmem:$0x1F800] =	vst v63  }
0xa7: {  	_ =	swait.ge [sflag:s29], $0x4000  }
0xa8: {  	[sflag:s29] =	ssyncset.done $0x0  }
0xa9: {  	[sflag:s29] =	ssyncadd.s32 $0xFFFFC000  }
0xaa: {  	_ =	swait.ge [sflag:s6], $0x4000  }
0xab: {  	[sflag:s6] =	ssyncset.done $0x0  }
0xac: {  	[sflag:s6] =	ssyncadd.s32 $0xFFFFC000  }
0xad: {  	[spmem:s2] =	stream.indirect.scatter.add.f32 [tilespmem:s3], [sflag:$0x3], $0x80, s9, s31, $0xb8;
	[tilespmem:$0x1F800] =	vst v63  }
0xae: {  	_ =	swait.ge [sflag:s29], $0x4000  }
0xaf: {  	[sflag:s29] =	ssyncset.done $0x0  }
0xb0: {  	s15 =	simm.s32 $0x0;
	[sflag:s29] =	ssyncadd.s32 $0xFFFFC000  }
0xb1: {  	[tilespmem:s15], [sflag:$0x3] =	stream.linear.gather [hbm4b:s23+s15], $0x1400, $0x38;
	[tilespmem:$0x1F800] =	vst v63  }
0xb2: {  	_ =	swait.ge [sflag:s29], $0x1400  }
0xb3: {  	[sflag:s29] =	ssyncset.done $0x0  }
0xb4: {  	[sflag:s29] =	ssyncadd.s32 $0xFFFFEC00  }
0xb5: {  	[tilespmem:s30], [sflag:$0x3] =	stream.linear.gather [hbm4b:s24+s15], $0x1400, $0x38;
	[tilespmem:$0x1F800] =	vst v63  }
0xb6: {  	_ =	swait.ge [sflag:s29], $0x1400  }
0xb7: {  	[sflag:s29] =	ssyncset.done $0x0  }
0xb8: {  	[sflag:s29] =	ssyncadd.s32 $0xFFFFEC00  }
0xb9: {  	[tilespmem:s0], [sflag:$0x1] =	stream.indirect.gather [hbm4b:s1+s31], $0x80, s15, s31, $0xb8;
	[tilespmem:$0x1F800] =	vst v63  }
0xba: {  	s12 =	simm.s32 $0x80  }
0xbb: {  	[tilespmem:s3], [sflag:$0x2] =	stream.indirect.gather [hbm4b:s1+s31], $0x80, s12, s31, $0xb8;
	[tilespmem:$0x1F800] =	vst v63  }
0xbc: {  	_ =	swait.ge [sflag:s4], $0x4000  }
0xbd: {  	[sflag:s4] =	ssyncset.done $0x0  }
0xbe: {  	s13 =	simm.s32 $0x1400;
	[sflag:s4] =	ssyncadd.s32 $0xFFFFC000  }
0xbf: {  	[spmem:s2] =	stream.indirect.scatter.add.f32 [tilespmem:s0], [sflag:$0x3], $0x80, s13, s31, $0xb8;
	[tilespmem:$0x1F800] =	vst v63  }
0xc0: {  	_ =	swait.ge [sflag:s29], $0x4000  }
0xc1: {  	[sflag:s29] =	ssyncset.done $0x0  }
0xc2: {  	s14 =	simm.s32 $0x100;
	[sflag:s29] =	ssyncadd.s32 $0xFFFFC000  }
0xc3: {  	[tilespmem:s0], [sflag:$0x1] =	stream.indirect.gather [hbm4b:s1+s31], $0x80, s14, s31, $0xb8;
	[tilespmem:$0x1F800] =	vst v63  }
0xc4: {  	_ =	swait.ge [sflag:s6], $0x4000  }
0xc5: {  	[sflag:s6] =	ssyncset.done $0x0  }
0xc6: {  	s15 =	simm.s32 $0x1480;
	[sflag:s6] =	ssyncadd.s32 $0xFFFFC000  }
0xc7: {  	[spmem:s2] =	stream.indirect.scatter.add.f32 [tilespmem:s3], [sflag:$0x3], $0x80, s15, s31, $0xb8;
	[tilespmem:$0x1F800] =	vst v63  }
0xc8: {  	_ =	swait.ge [sflag:s29], $0x4000  }
0xc9: {  	s11 =	simm.s32 $0x100;
	s12 =	simm.s32 $0x800;
	[sflag:s29] =	ssyncset.done $0x0  }
.LBB2_6:
0xca: {  	s13 =	sadd.s32 $0x80, s11  }
0xcb: {  	[sflag:s29] =	ssyncadd.s32 $0xFFFFC000;
	s14 =	smov.u32 s12;
	s15 =	sadd.s32 $0x400, s12  }
0xcc: {  	[tilespmem:s3], [sflag:$0x2] =	stream.indirect.gather [hbm4b:s1+s31], $0x80, s13, s31, $0xb8;
	[tilespmem:$0x1F800] =	vst v63  }
0xcd: {  	p0 =	sne.s32 s12, $0x4800;
	_ =	swait.ge [sflag:s4], $0x4000  }
0xce: {  	[sflag:s4] =	ssyncset.done $0x0  }
0xcf: {  	s12 =	sadd.s32 $0x1400, s11;
	[sflag:s4] =	ssyncadd.s32 $0xFFFFC000  }
0xd0: {  	[spmem:s2] =	stream.indirect.scatter.add.f32 [tilespmem:s0], [sflag:$0x3], $0x80, s12, s31, $0xb8;
	[tilespmem:$0x1F800] =	vst v63  }
0xd1: {  	_ =	swait.ge [sflag:s29], $0x4000  }
0xd2: {  	[sflag:s29] =	ssyncset.done $0x0  }
0xd3: {  	s12 =	sadd.s32 $0x100, s11;
	[sflag:s29] =	ssyncadd.s32 $0xFFFFC000  }
0xd4: {  	[tilespmem:s0], [sflag:$0x1] =	stream.indirect.gather [hbm4b:s1+s31], $0x80, s12, s31, $0xb8;
	[tilespmem:$0x1F800] =	vst v63  }
0xd5: {  	_ =	swait.ge [sflag:s6], $0x4000  }
.Ltmp2:
0xd6: {  	[sflag:s6] =	ssyncset.done $0x0;
	(pc) =	sbr.rel @p0 .LBB2_6-.Ltmp2, $4  }
0xd7: {  	s11 =	sadd.s32 $0x1480, s11;
	[sflag:s6] =	ssyncadd.s32 $0xFFFFC000  }
0xd8: {  	[spmem:s2] =	stream.indirect.scatter.add.f32 [tilespmem:s3], [sflag:$0x3], $0x80, s11, s31, $0xb8;
	[tilespmem:$0x1F800] =	vst v63  }
0xd9: {  	_ =	swait.ge [sflag:s29], $0x4000  }
0xda: {  	s12 =	smov.u32 s15;
	s11 =	sshra.s32 s14, $0x2;
	[sflag:s29] =	ssyncset.done $0x0  }
0xdb: {  	s12 =	sadd.s32 $0x80, s11;
	[sflag:s29] =	ssyncadd.s32 $0xFFFFC000  }
0xdc: {  	[tilespmem:s3], [sflag:$0x2] =	stream.indirect.gather [hbm4b:s1+s31], $0x80, s12, s31, $0xb8;
	[tilespmem:$0x1F800] =	vst v63  }
0xdd: {  	_ =	swait.ge [sflag:s4], $0x4000  }
0xde: {  	[sflag:s4] =	ssyncset.done $0x0  }
0xdf: {  	s14 =	sadd.s32 $0x1400, s11;
	[sflag:s4] =	ssyncadd.s32 $0xFFFFC000  }
0xe0: {  	[spmem:s2] =	stream.indirect.scatter.add.f32 [tilespmem:s0], [sflag:$0x3], $0x80, s14, s31, $0xb8;
	[tilespmem:$0x1F800] =	vst v63  }
0xe1: {  	_ =	swait.ge [sflag:s29], $0x4000  }
0xe2: {  	[sflag:s29] =	ssyncset.done $0x0  }
0xe3: {  	s15 =	sadd.s32 $0x100, s11;
	[sflag:s29] =	ssyncadd.s32 $0xFFFFC000  }
0xe4: {  	[tilespmem:s0], [sflag:$0x1] =	stream.indirect.gather [hbm4b:s1+s31], $0x80, s15, s31, $0xb8;
	[tilespmem:$0x1F800] =	vst v63  }
0xe5: {  	_ =	swait.ge [sflag:s6], $0x4000  }
0xe6: {  	[sflag:s6] =	ssyncset.done $0x0  }
0xe7: {  	s12 =	sadd.s32 $0x1480, s11;
	[sflag:s6] =	ssyncadd.s32 $0xFFFFC000  }
0xe8: {  	[spmem:s2] =	stream.indirect.scatter.add.f32 [tilespmem:s3], [sflag:$0x3], $0x80, s12, s31, $0xb8;
	[tilespmem:$0x1F800] =	vst v63  }
0xe9: {  	_ =	swait.ge [sflag:s29], $0x4000  }
0xea: {  	[sflag:s29] =	ssyncset.done $0x0  }
0xeb: {  	[sflag:s29] =	ssyncadd.s32 $0xFFFFC000  }
0xec: {  	[tilespmem:s3], [sflag:$0x2] =	stream.indirect.gather [hbm4b:s1+s31], $0x80, s7, s31, $0xb8;
	[tilespmem:$0x1F800] =	vst v63  }
0xed: {  	_ =	swait.ge [sflag:s4], $0x4000  }
0xee: {  	[sflag:s4] =	ssyncset.done $0x0  }
0xef: {  	[sflag:s4] =	ssyncadd.s32 $0xFFFFC000  }
0xf0: {  	[spmem:s2] =	stream.indirect.scatter.add.f32 [tilespmem:s0], [sflag:$0x3], $0x80, s8, s31, $0xb8;
	[tilespmem:$0x1F800] =	vst v63  }
0xf1: {  	_ =	swait.ge [sflag:s29], $0x4000  }
0xf2: {  	[sflag:s29] =	ssyncset.done $0x0  }
0xf3: {  	[sflag:s29] =	ssyncadd.s32 $0xFFFFC000  }
0xf4: {  	_ =	swait.ge [sflag:s6], $0x4000  }
0xf5: {  	[sflag:s6] =	ssyncset.done $0x0  }
0xf6: {  	[sflag:s6] =	ssyncadd.s32 $0xFFFFC000  }
0xf7: {  	[spmem:s2] =	stream.indirect.scatter.add.f32 [tilespmem:s3], [sflag:$0x3], $0x80, s9, s31, $0xb8;
	[tilespmem:$0x1F800] =	vst v63  }
0xf8: {  	_ =	swait.ge [sflag:s29], $0x4000  }
0xf9: {  	[sflag:s29] =	ssyncset.done $0x0  }
0xfa: {  	s13 =	stileid.u32;
	[sflag:s29] =	ssyncadd.s32 $0xFFFFC000  }
0xfb: {  	s11 =	sshll.u32 s13, $0x6;
	[bflag:$0x0] =	sbarrier.arrive $0xFFFF  }
0xfc: {  	s11 =	sor.u32 $0x1C03, s11;
	s14 =	sshrl.u32 s5, $0x3;
	s13 =	rddreg [dreg:$0x5]  }
0xfd: {  	[hbm:s13], [sflag:s11] =	dma.local [spmem:s14], $0x2780  }
0xfe: {  	_ =	swait.ge [sflag:s29], $0x2780  }
0xff: {  	s10 =	sadd.s32 $0x1, s10;
	s15 =	rddreg [dreg:$0x6]  }
0x100: {  	p0 =	sne.s32 s10, s15  }
.Ltmp3:
0x101: {  	_ = 	snop;
	(pc) =	sbr.rel @p0 .LBB2_1-.Ltmp3, $3  }
0x102: {  	_ =	sdelay $0x1  }
0x103: {  	[sflag:s29] =	ssyncset.done $0x0  }
0x104: {  	[sflag:s29] =	ssyncadd.s32 $0xFFFFD880  }
0x105: {  	_ =	sfence.sel $0x180000  }
0x106: {  	[bflag:$0x0] =	sbarrier.arrive $0xFFFF  }
0x107: {  	_ =	strace $0x9000004A  }
0x108: {  	s0 =	stileid.u32;
	[bflag:$0x2] =	sbarrier.arrive $0xFFFF  }
0x109: {  	p0 =	sne.s32 s0, $0x0;
	s0 =	rddreg [dreg:$0x3]  }
0x10a: {  	s0 =	sadd.s32 @!p0 $0x100000, s0  }
0x10b: {  	[sflag:s0] =	ssyncadd.tile.s32 @!p0 $0x1;
	_ =	shalt  }
.Lfunc_end2:
_tile_overlayer_lowered:
.L_overlay_start_2:
0x10c: {  	(tag) =	ssettag $0x2  }
0x10d: {  	s0 =	rddreg [dreg:$0x0];
	s2 =	stileid.u32  }
0x10e: {  	s1 =	rddreg [dreg:$0x1];
	p0 =	sne.s32 s2, $0x0  }
0x10f: {  	s3 =	rddreg [dreg:$0x2];
	[bflag:$0x3] =	sbarrier.arrive $0xFFFF;
	s2 =	simm.s32 @!p0 $0x1C03  }
0x110: {  	[timem:s3], [sflag:s2] =	dma.local @!p0 [hbm:s0], s1  }
0x111: {  	s0 =	simm.s32 @!p0 $0x3  }
0x112: {  	_ =	swait.ge @!p0 [sflag:s0], s1  }
0x113: {  	s1 =	ssub.s32 @!p0 $0x0, s1;
	[sflag:s0] =	ssyncset.done @!p0 $0x0  }
0x114: {  	[sflag:s0] =	ssyncadd.s32 @!p0 s1  }
0x115: {  	[bflag:$0x3] =	sbarrier.arrive $0xFFFF  }
0x116: {  	_ =	shalt  }

// kernel: kernel.7.cloned.1.call-start
scs
__scs_entry_jumppad:
0x0: {  	(pc) =	sbr.rel $0x88, $3  }
0x1: {  	(tag) =	ssettag $0x0;
	lr =	simm.s32 $0x1  }
0x2: {  	[smem:$0x3F98] =	sst lr;
	_ =	strace $0xD0000000  }
0x3: {  	_ = 	snop  }
0x4: {  	_ = 	snop  }
0x5: {  	_ = 	snop  }
0x6: {  	_ = 	snop  }
0x7: {  	_ = 	snop  }
__scs_overlays_trampoline_lowered:
0x8: {  	[smem:$0x3FA7] =	sst s0  }
0x9: {  	[smem:$0x3FA8] =	sst s1  }
0xa: {  	[smem:$0x3FA9] =	sst s2  }
0xb: {  	[smem:$0x3FAA] =	sst s3  }
0xc: {  	[smem:$0x3FAB] =	sst s4  }
0xd: {  	[smem:$0x3FAC] =	sst s5  }
0xe: {  	[smem:$0x3FAD] =	sst s6  }
0xf: {  	[smem:$0x3FAE] =	sst s7  }
0x10: {  	[smem:$0x3FAF] =	sst s8  }
0x11: {  	[smem:$0x3FB0] =	sst s9;
	s0 =	simm.s32 @!p0 $0x0  }
0x12: {  	s1 =	sld [smem:$0x3F96];
	s0 =	simm.s32 @p0 $0x1  }
0x13: {  	[smem:$0x3FB1] =	sst s0;
	s0 =	simm.s32 @!p1 $0x0  }
0x14: {  	s2 =	sld [smem:$0x3F95];
	s0 =	simm.s32 @p1 $0x1  }
0x15: {  	[smem:$0x3FB2] =	sst s0;
	s0 =	simm.s32 @!p2 $0x0  }
0x16: {  	s3 =	sld [smem:$0x3FDB];
	s0 =	simm.s32 @p2 $0x1  }
0x17: {  	s4 =	simm.s32 $0x1BF5;
	[smem:$0x3FB4] =	sst s0  }
0x18: {  	s0 =	sld [smem:$0x3F97];
	_ =	swait.ge [sflag:s4], $0x0  }
0x19: {  	s7 =	sld [smem:$0x3F98]  }
0x1a: {  	s8 =	sadd.s32 $0xFFFFE003, lr  }
0x1b: {  	s9 =	sadd.s32 $0xFFFFFEF7, lr;
	s5 =	simm.s32 $0xFFFFFFFF;
	p2 =	slt.u32 s8, $0xFFFFF086  }
0x1c: {  	p1 =	slt.u32 s9, $0xF7A;
	s5 =	simm.s32 @!p2 $0x0  }
0x1d: {  	s5 =	simm.s32 @p1 $0x1;
	p0 =	seq.s32 s7, s2  }
0x1e: {  	s7 =	smul.u32 @!p0 $0xF7A, s2;
	p2 =	seq.s32 @!p0 s5, $0x0  }
0x1f: {  	s9 =	smul.u32 $0xF7A, s1;
	s8 =	simm.s32 @!p0 $0x1BF5;
	p2 =	por !p2, p0  }
0x20: {  	[sflag:s8] =	ssyncset.s32 @!p0 $0xFFFFF086;
	s6 =	sadd.s32 @!p0 s3, s7;
	s7 =	simm.s32 @!p0 $0x108  }
0x21: {  	s3 =	sadd.s32 s3, s9;
	s6 =	sadd.s32 @!p0 $0x88, s6;
	s7 =	simm.s32 @p2 $0x1082  }
0x22: {  	[simem:s7], [sflag:s8] =	dma.local @!p0 [hbm:s6], $0xF7A  }
0x23: {  	s9 =	sor.u32 $0xD0000000, s2;
	s6 =	simm.s32 $0x108;
	_ =	swait.ge @!p0 [sflag:s8], $0x0  }
0x24: {  	s3 =	sadd.s32 $0x88, s3;
	s6 =	simm.s32 @!p1 $0x1082;
	[sflag:s4] =	ssyncset.s32 $0xFFFFF086  }
0x25: {  	[simem:s6], [sflag:s4] =	dma.local [hbm:s3], $0xF7A  }
0x26: {  	[smem:$0x3F98] =	sst s1;
	(tag) =	ssettag s2;
	_ =	strace s9  }
0x27: {  	s1 =	sld [smem:$0x3FA8]  }
0x28: {  	s2 =	sld [smem:$0x3FA9]  }
0x29: {  	s4 =	sld [smem:$0x3FAB]  }
0x2a: {  	p0 =	seq.s32 s5, $0x0;
	s5 =	sld [smem:$0x3FAC]  }
0x2b: {  	s6 =	sld [smem:$0x3FAD]  }
0x2c: {  	s7 =	sld [smem:$0x3FAE]  }
0x2d: {  	s3 =	simm.s32 $0x108;
	s8 =	sld [smem:$0x3FAF]  }
0x2e: {  	s3 =	simm.s32 @!p0 $0x1082;
	s9 =	sld [smem:$0x3FB0]  }
0x2f: {  	lr =	sadd.s32 s0, s3;
	s0 =	sld [smem:$0x3FA7]  }
0x30: {  	s3 =	sld [smem:$0x3FAA]  }
0x31: {  	[smem:$0x3FB3] =	sst s10  }
0x32: {  	s10 =	sld [smem:$0x3FB1];
	_ =	sdelay $0x3  }
0x33: {  	p0 =	seq.s32 s10, $0x1;
	s10 =	sld [smem:$0x3FB3];
	_ =	sdelay $0x3  }
0x34: {  	[smem:$0x3FB3] =	sst s10  }
0x35: {  	s10 =	sld [smem:$0x3FB2];
	_ =	sdelay $0x3  }
0x36: {  	p1 =	seq.s32 s10, $0x1;
	s10 =	sld [smem:$0x3FB3];
	_ =	sdelay $0x3  }
0x37: {  	[smem:$0x3FB3] =	sst s10  }
0x38: {  	s10 =	sld [smem:$0x3FB4]  }
0x39: {  	_ = 	snop;
	(pc) =	sbr.ind lr, $3  }
0x3a: {  	_ = 	snop  }
0x3b: {  	_ = 	snop  }
0x3c: {  	p2 =	seq.s32 s10, $0x1;
	s10 =	sld [smem:$0x3FB3]  }
0x3d: {  	_ =	shalt  }
0x3e: {  	_ =	shalt  }
0x3f: {  	_ =	shalt  }
0x40: {  	_ =	shalt  }
0x41: {  	_ =	shalt  }
0x42: {  	_ =	shalt  }
0x43: {  	_ =	shalt  }
0x44: {  	_ =	shalt  }
0x45: {  	_ =	shalt  }
0x46: {  	_ =	shalt  }
0x47: {  	_ =	shalt  }
0x48: {  	_ =	shalt  }
0x49: {  	_ =	shalt  }
0x4a: {  	_ =	shalt  }
0x4b: {  	_ =	shalt  }
0x4c: {  	_ =	shalt  }
0x4d: {  	_ =	shalt  }
0x4e: {  	_ =	shalt  }
0x4f: {  	_ =	shalt  }
0x50: {  	_ =	shalt  }
0x51: {  	_ =	shalt  }
0x52: {  	_ =	shalt  }
0x53: {  	_ =	shalt  }
0x54: {  	_ =	shalt  }
0x55: {  	_ =	shalt  }
0x56: {  	_ =	shalt  }
0x57: {  	_ =	shalt  }
0x58: {  	_ =	shalt  }
0x59: {  	_ =	shalt  }
0x5a: {  	_ =	shalt  }
0x5b: {  	_ =	shalt  }
0x5c: {  	_ =	shalt  }
0x5d: {  	_ =	shalt  }
0x5e: {  	_ =	shalt  }
0x5f: {  	_ =	shalt  }
0x60: {  	_ =	shalt  }
0x61: {  	_ =	shalt  }
0x62: {  	_ =	shalt  }
0x63: {  	_ =	shalt  }
0x64: {  	_ =	shalt  }
0x65: {  	_ =	shalt  }
0x66: {  	_ =	shalt  }
0x67: {  	_ =	shalt  }
0x68: {  	_ =	shalt  }
0x69: {  	_ =	shalt  }
0x6a: {  	_ =	shalt  }
0x6b: {  	_ =	shalt  }
0x6c: {  	_ =	shalt  }
0x6d: {  	_ =	shalt  }
0x6e: {  	_ =	shalt  }
0x6f: {  	_ =	shalt  }
0x70: {  	_ =	shalt  }
0x71: {  	_ =	shalt  }
0x72: {  	_ =	shalt  }
0x73: {  	_ =	shalt  }
0x74: {  	_ =	shalt  }
0x75: {  	_ =	shalt  }
0x76: {  	_ =	shalt  }
0x77: {  	_ =	shalt  }
0x78: {  	_ =	shalt  }
0x79: {  	_ =	shalt  }
0x7a: {  	_ =	shalt  }
0x7b: {  	_ =	shalt  }
0x7c: {  	_ =	shalt  }
0x7d: {  	_ =	shalt  }
0x7e: {  	_ =	shalt  }
0x7f: {  	_ =	shalt  }
0x80: {  	_ =	shalt  }
0x81: {  	_ =	shalt  }
0x82: {  	_ =	shalt  }
0x83: {  	_ =	shalt  }
0x84: {  	_ =	shalt  }
0x85: {  	_ =	shalt  }
0x86: {  	_ =	shalt  }
0x87: {  	_ =	shalt  }
.Lfunc_end0:
.L_simem_size_0:
called_computation_lowered:
.L_overlay_start_0:
0x88: {  	s2 =	sld [smem:$0x3FD9]  }
0x89: {  	s3 =	sld [smem:$0x3FFE];
	_ =	sdelay $0x1  }
0x8a: {  	s1 =	srdreg.scid  }
0x8b: {  	s0 =	sand.u32 $0x1, s1  }
0x8c: {  	s16 =	sshll.u32 s0, $0xA;
	s2 =	sadd.s32 s3, s2  }
0x8d: {  	s2 =	sadd.s32 s2, s16  }
0x8e: {  	[smem:$0x3FBF] =	sst s2  }
0x8f: {  	_ = 	snop  }
0x90: {  	(tm) =	ssettm $0x1  }
0x91: {  	s17 =	sld [smem:$0x3FFB];
	_ =	sdelay $0x3  }
0x92: {  	_ =	strace s17  }
0x93: {  	s2 =	sld [smem:$0x3FFC];
	_ =	sdelay $0x3  }
0x94: {  	_ =	strace s2  }
0x95: {  	s2 =	sld [smem:$0x3FFD];
	_ =	sdelay $0x3  }
0x96: {  	_ =	strace s2  }
0x97: {  	_ =	strace $0x8FFFFFFF  }
0x98: {  	s18 =	sld [smem:$0x3FDB];
	_ =	sdelay $0x1  }
0x99: {  	s19 =	simm.s32 $_scs_section_size  }
0x9a: {  	s4 =	simm.s32 $_size__tile_overlayer_lowered;
	s5 =	simm.s32 $_tile_overlayer_lowered  }
0x9b: {  	s22 =	simm.s32 $0x1BFF;
	s21 =	sshll.u32 s5, $0x1;
	s2 =	sadd.s32 s19, s18  }
0x9c: {  	s6 =	simm.s32 $0x0;
	s20 =	sshll.u32 s4, $0x1;
	s4 =	sadd.s32 s21, s2  }
0x9d: {  	[timem:s6], [sflag:s22] =	dma.local [hbm:s4], s20  }
0x9e: {  	_ =	swait.ge [sflag:s22], s20  }
0x9f: {  	s3 =	ssub.s32 $0x0, s20;
	[sflag:s22] =	ssyncset.done $0x0  }
0xa0: {  	[sflag:s22] =	ssyncadd.s32 s3;
	_ =	sdelay $0x1  }
0xa1: {  	s23 =	simm.s32 $0x1B8B  }
0xa2: {  	_ =	swait.ge [sflag:s23], $0x1  }
0xa3: {  	[sflag:s23] =	ssyncset.done $0x0  }
0xa4: {  	s25 =	simm.s32 $0x1B8E;
	s24 =	sld [smem:$0x3FFE];
	[sflag:s23] =	ssyncadd.s32 $0xFFFFFFFF  }
0xa5: {  	s26 =	simm.s32 $execute0_lowered;
	[smem:$0x3FD2] =	sst s25  }
0xa6: {  	s4 =	sshll.u32 s26, $0x1;
	_ =	strace $0x80000046;
	[dreg:$0x1] =	wrdreg $0xFFFFFFFF  }
0xa7: {  	s28 =	simm.s32 $_size_execute0_lowered;
	s2 =	sadd.s32 s2, s4;
	[dreg:$0x0] =	wrdreg $0x0  }
0xa8: {  	s4 =	sshll.u32 s28, $0x1;
	[dreg:$0x2] =	wrdreg s2  }
0xa9: {  	[dreg:$0x3] =	wrdreg s4  }
0xaa: {  	[dreg:$0x4] =	wrdreg $0xC0  }
0xab: {  	_ =	task [dreg:s6], $0x5FFFF  }
0xac: {  	[dreg:$0x1] =	wrdreg $0xFFFFFFFF  }
0xad: {  	[dreg:$0x0] =	wrdreg $0x60  }
0xae: {  	[dreg:$0x2] =	wrdreg s24  }
0xaf: {  	[dreg:$0x3] =	wrdreg $0x68000  }
0xb0: {  	[dreg:$0x4] =	wrdreg $0x9  }
0xb1: {  	_ =	task.clear_ibuf [dreg:s6], $0x5FFFF;
	_ =	strace $0x90000046  }
0xb2: {  	s29 =	simm.s32 $0x9;
	_ =	strace $0x80000048  }
0xb3: {  	_ =	swait.ge [sflag:s29], $0x1  }
0xb4: {  	[sflag:s29] =	ssyncadd.s32 $0xFFFFFFFF  }
0xb5: {  	_ =	strace $0x90000048  }
0xb6: {  	_ =	sfence  }
0xb7: {  	s30 =	sld [smem:$0x0];
	_ =	sdelay $0x2  }
0xb8: {  	s31 =	sshll.u32 s1, $0xD;
	s1 =	sshrl.u32 s1, $0x2  }
0xb9: {  	s3 =	sand.u32 $0x4000, s31;
	s1 =	sadd.s32 s1, s30  }
0xba: {  	s0 =	sor.u32 s3, s0;
	s1 =	sshll.u32 s1, $0x11  }
0xbb: {  	s0 =	sor.u32 s1, s0  }
0xbc: {  	s0 =	sadd.s32 $0x8F2B, s0  }
0xbd: {  	[sflag:s0] =	ssyncadd.remote.s32 $0x1  }
0xbe: {  	_ =	sfence.sel $0xFFFF  }
0xbf: {  	[dreg:$0x0] =	wrdreg $0xFFFFFFFF;
	(pc) =	sbr.abs _section_cstart, $3  }
0xc0: {  	[dreg:$0x1] =	wrdreg $0xFFFFFFFF  }
0xc1: {  	_ =	task.clear_ibuf [dreg:s6], $0x2FFFF;
	_ =	strace $0x9FFFFFFF  }
0xc2: {  	(tm) =	ssettm $0x7FFFFFFF  }
0xc3: {  	_ =	shalt  }
tec
execute0_lowered:
.L_overlay_start_1:
0x0: {  	(tag) =	ssettag $0x1  }
0x1: {  	s0 =	srdreg.scid;
	s4 =	rddreg [dreg:$0x0]  }
0x2: {  	s7 =	stileid.u32;
	s2 =	rddreg [dreg:$0x1];
	s3 =	simm.s32 $0x0  }
0x3: {  	s0 =	sand.u32 $0x1, s0;
	[smem:$0x7FF] =	sst s3;
	s6 =	smul.u32 $0x13C00, s7  }
0x4: {  	s1 =	sshll.u32 s0, $0x4;
	s5 =	smul.u32 $0x13C000, s0;
	s0 =	ssub.s32 $0x2, s0  }
0x5: {  	s1 =	sor.u32 s7, s1;
	s7 =	smul.u32 $0x4F000, s7;
	s9 =	sshrl.u32 s0, $0x1  }
0x6: {  	s1 =	smul.u32 $0x500, s1;
	s5 =	sadd.s32 s6, s5;
	s0 =	ssub.s32 s0, s9  }
0x7: {  	s5 =	sshrl.u32 s5, $0x3;
	s7 =	sshrl.u32 s7, $0x2;
	s0 =	smax.u32 s0, $0x1  }
0x8: {  	s1 =	sadd.s32 s1, s4;
	s5 =	sadd.s32 s5, s4;
	s4 =	sadd.s32 s7, s2  }
0x9: {  	_ =	strace $0x80000047;
	[dreg:$0x5] =	wrdreg s0;
	s10 =	sadd.s32 $0x12C00, s4  }
0xa: {  	s5 =	sadd.s32 $0x16C00, s5;
	[dreg:$0x3] =	wrdreg s10  }
0xb: {  	s11 =	sadd.s32 $0x1400, s4;
	[dreg:$0x4] =	wrdreg s5  }
0xc: {  	s12 =	sadd.s32 $0x2800, s4;
	[dreg:$0x6] =	wrdreg s11  }
0xd: {  	s13 =	sadd.s32 $0x3C00, s4;
	[dreg:$0x7] =	wrdreg s12  }
0xe: {  	s14 =	sadd.s32 $0x5000, s4;
	[dreg:$0x8] =	wrdreg s13  }
0xf: {  	s15 =	sadd.s32 $0x6400, s4;
	[dreg:$0x9] =	wrdreg s14  }
0x10: {  	s16 =	sadd.s32 $0x7800, s4;
	[dreg:$0xa] =	wrdreg s15  }
0x11: {  	s28 =	simm.s32 $0x1400;
	s17 =	sadd.s32 $0x8C00, s4;
	[dreg:$0xb] =	wrdreg s16  }
0x12: {  	s29 =	simm.s32 $0xD00;
	s18 =	sadd.s32 $0xA000, s4;
	[dreg:$0xc] =	wrdreg s17  }
0x13: {  	s30 =	simm.s32 $0xD80;
	s19 =	sadd.s32 $0xB400, s4;
	[dreg:$0xd] =	wrdreg s18  }
0x14: {  	s31 =	simm.s32 $0xE00;
	s20 =	sadd.s32 $0xC800, s4;
	[dreg:$0xe] =	wrdreg s19  }
0x15: {  	s8 =	simm.s32 $0x1100;
	s21 =	sadd.s32 $0xDC00, s4;
	[dreg:$0xf] =	wrdreg s20  }
0x16: {  	s6 =	simm.s32 $0x1000;
	s22 =	sadd.s32 $0xF000, s4;
	[dreg:$0x10] =	wrdreg s21  }
0x17: {  	s9 =	simm.s32 $0x1180;
	s23 =	sadd.s32 $0x10400, s4;
	[dreg:$0x11] =	wrdreg s22  }
0x18: {  	s0 =	simm.s32 $0xF00;
	s24 =	sadd.s32 $0x11800, s4;
	[dreg:$0x12] =	wrdreg s23  }
0x19: {  	s7 =	simm.s32 $0x1080;
	s25 =	sadd.s32 $0xCC00, s1;
	[dreg:$0x13] =	wrdreg s24  }
0x1a: {  	s26 =	sadd.s32 $0xCE80, s1;
	s1 =	simm.s32 $0xE80;
	[dreg:$0x14] =	wrdreg s25  }
0x1b: {  	[dreg:$0x15] =	wrdreg s26;
	s24 =	simm.s32 $0x5400;
	s25 =	simm.s32 $0x2  }
0x1c: {  	s26 =	simm.s32 $0x80;
	s20 =	simm.s32 $0xB00;
	s21 =	simm.s32 $0xB80  }
0x1d: {  	s22 =	simm.s32 $0xC00;
	s23 =	simm.s32 $0xC80;
	s5 =	simm.s32 $0xF80  }
0x1e: {  	s10 =	simm.s32 $0x1200;
	s11 =	simm.s32 $0x1280;
	s12 =	simm.s32 $0x1300  }
0x1f: {  	v0 =	vimm.f32 $1.000000000e+00;
	v1 =	vimm.f32 $0.0e+00;
	s13 =	simm.s32 $0x1380;
	s14 =	simm.s32 $0x1;
	s15 =	simm.s32 $0x0  }
.LBB2_1:
0x20: {  	s16 =	simm.s32 $0x0;
	s17 =	simm.s32 $0x0  }
.LBB2_2:
0x21: {  	p0 =	sne.s32 s17, $0xFFC0  }
.Ltmp0:
0x22: {  	_ = 	snop;
	(pc) =	sbr.rel @p0 .LBB2_2-.Ltmp0, $4  }
0x23: {  	s18 =	sand.u32 $0xFE00, s17  }
0x24: {  	s19 =	sand.u32 $0x70, s16;
	s18 =	sshrl.u32 s18, $0x2  }
0x25: {  	s18 =	sor.u32 s19, s18  }
0x26: {  	s16 =	sadd.s32 $0x10, s16;
	s17 =	sadd.s32 $0x40, s17;
	[tilespmem:s18+$0x1400] =	vst v0  }
0x27: {  	s16 =	simm.s32 $0x0  }
0x28: {  	s17 =	sand.u32 $0x7E00, s16  }
0x29: {  	s18 =	sand.u32 $0x70, s16;
	s19 =	sshrl.u32 s17, $0x2  }
0x2a: {  	s17 =	simm.s32 $0x40;
	s18 =	sor.u32 s18, s19  }
.LBB2_4:
0x2b: {  	p0 =	sne.s32 s17, $0x4FC0  }
0x2c: {  	[tilespmem:s18+$0x5400] =	vst v1;
	s16 =	sadd.s32 $0x10, s16;
	s18 =	smov.u32 s17;
	s17 =	sadd.s32 $0x40, s17  }
.Ltmp1:
0x2d: {  	(pc) =	sbr.rel @p0 .LBB2_4-.Ltmp1, $4  }
0x2e: {  	_ = 	snop  }
0x2f: {  	s18 =	sand.u32 $0x7E00, s18  }
0x30: {  	s19 =	sand.u32 $0x70, s16;
	s18 =	sshrl.u32 s18, $0x2  }
0x31: {  	s18 =	sor.u32 s19, s18  }
0x32: {  	[tilespmem:s18+$0x5400] =	vst v1  }
0x33: {  	[spmem:s4] =	stream.linear.scatter [tilespmem:s24], [sflag:$0x2], $0x1400, $0x38;
	[tilespmem:$0x1A400] =	vst v63  }
0x34: {  	_ =	swait.ge [sflag:s25], $0x1400  }
0x35: {  	[sflag:s25] =	ssyncset.done $0x0  }
0x36: {  	s16 =	rddreg [dreg:$0x6];
	[sflag:s25] =	ssyncadd.s32 $0xFFFFEC00  }
0x37: {  	[spmem:s16] =	stream.linear.scatter [tilespmem:s24], [sflag:$0x2], $0x1400, $0x38;
	[tilespmem:$0x1A400] =	vst v63  }
0x38: {  	_ =	swait.ge [sflag:s25], $0x1400  }
0x39: {  	[sflag:s25] =	ssyncset.done $0x0  }
0x3a: {  	s17 =	rddreg [dreg:$0x7];
	[sflag:s25] =	ssyncadd.s32 $0xFFFFEC00  }
0x3b: {  	[spmem:s17] =	stream.linear.scatter [tilespmem:s24], [sflag:$0x2], $0x1400, $0x38;
	[tilespmem:$0x1A400] =	vst v63  }
0x3c: {  	_ =	swait.ge [sflag:s25], $0x1400  }
0x3d: {  	[sflag:s25] =	ssyncset.done $0x0  }
0x3e: {  	s18 =	rddreg [dreg:$0x8];
	[sflag:s25] =	ssyncadd.s32 $0xFFFFEC00  }
0x3f: {  	[spmem:s18] =	stream.linear.scatter [tilespmem:s24], [sflag:$0x2], $0x1400, $0x38;
	[tilespmem:$0x1A400] =	vst v63  }
0x40: {  	_ =	swait.ge [sflag:s25], $0x1400  }
0x41: {  	[sflag:s25] =	ssyncset.done $0x0  }
0x42: {  	s19 =	rddreg [dreg:$0x9];
	[sflag:s25] =	ssyncadd.s32 $0xFFFFEC00  }
0x43: {  	[spmem:s19] =	stream.linear.scatter [tilespmem:s24], [sflag:$0x2], $0x1400, $0x38;
	[tilespmem:$0x1A400] =	vst v63  }
0x44: {  	_ =	swait.ge [sflag:s25], $0x1400  }
0x45: {  	[sflag:s25] =	ssyncset.done $0x0  }
0x46: {  	s17 =	rddreg [dreg:$0xa];
	[sflag:s25] =	ssyncadd.s32 $0xFFFFEC00  }
0x47: {  	[spmem:s17] =	stream.linear.scatter [tilespmem:s24], [sflag:$0x2], $0x1400, $0x38;
	[tilespmem:$0x1A400] =	vst v63  }
0x48: {  	_ =	swait.ge [sflag:s25], $0x1400  }
0x49: {  	[sflag:s25] =	ssyncset.done $0x0  }
0x4a: {  	s18 =	rddreg [dreg:$0xb];
	[sflag:s25] =	ssyncadd.s32 $0xFFFFEC00  }
0x4b: {  	[spmem:s18] =	stream.linear.scatter [tilespmem:s24], [sflag:$0x2], $0x1400, $0x38;
	[tilespmem:$0x1A400] =	vst v63  }
0x4c: {  	_ =	swait.ge [sflag:s25], $0x1400  }
0x4d: {  	[sflag:s25] =	ssyncset.done $0x0  }
0x4e: {  	s19 =	rddreg [dreg:$0xc];
	[sflag:s25] =	ssyncadd.s32 $0xFFFFEC00  }
0x4f: {  	[spmem:s19] =	stream.linear.scatter [tilespmem:s24], [sflag:$0x2], $0x1400, $0x38;
	[tilespmem:$0x1A400] =	vst v63  }
0x50: {  	_ =	swait.ge [sflag:s25], $0x1400  }
0x51: {  	[sflag:s25] =	ssyncset.done $0x0  }
0x52: {  	s17 =	rddreg [dreg:$0xd];
	[sflag:s25] =	ssyncadd.s32 $0xFFFFEC00  }
0x53: {  	[spmem:s17] =	stream.linear.scatter [tilespmem:s24], [sflag:$0x2], $0x1400, $0x38;
	[tilespmem:$0x1A400] =	vst v63  }
0x54: {  	_ =	swait.ge [sflag:s25], $0x1400  }
0x55: {  	[sflag:s25] =	ssyncset.done $0x0  }
0x56: {  	s18 =	rddreg [dreg:$0xe];
	[sflag:s25] =	ssyncadd.s32 $0xFFFFEC00  }
0x57: {  	[spmem:s18] =	stream.linear.scatter [tilespmem:s24], [sflag:$0x2], $0x1400, $0x38;
	[tilespmem:$0x1A400] =	vst v63  }
0x58: {  	_ =	swait.ge [sflag:s25], $0x1400  }
0x59: {  	[sflag:s25] =	ssyncset.done $0x0  }
0x5a: {  	s19 =	rddreg [dreg:$0xf];
	[sflag:s25] =	ssyncadd.s32 $0xFFFFEC00  }
0x5b: {  	[spmem:s19] =	stream.linear.scatter [tilespmem:s24], [sflag:$0x2], $0x1400, $0x38;
	[tilespmem:$0x1A400] =	vst v63  }
0x5c: {  	_ =	swait.ge [sflag:s25], $0x1400  }
0x5d: {  	[sflag:s25] =	ssyncset.done $0x0  }
0x5e: {  	s17 =	rddreg [dreg:$0x10];
	[sflag:s25] =	ssyncadd.s32 $0xFFFFEC00  }
0x5f: {  	[spmem:s17] =	stream.linear.scatter [tilespmem:s24], [sflag:$0x2], $0x1400, $0x38;
	[tilespmem:$0x1A400] =	vst v63  }
0x60: {  	_ =	swait.ge [sflag:s25], $0x1400  }
0x61: {  	[sflag:s25] =	ssyncset.done $0x0  }
0x62: {  	s18 =	rddreg [dreg:$0x11];
	[sflag:s25] =	ssyncadd.s32 $0xFFFFEC00  }
0x63: {  	[spmem:s18] =	stream.linear.scatter [tilespmem:s24], [sflag:$0x2], $0x1400, $0x38;
	[tilespmem:$0x1A400] =	vst v63  }
0x64: {  	_ =	swait.ge [sflag:s25], $0x1400  }
0x65: {  	[sflag:s25] =	ssyncset.done $0x0  }
0x66: {  	s19 =	rddreg [dreg:$0x12];
	[sflag:s25] =	ssyncadd.s32 $0xFFFFEC00  }
0x67: {  	[spmem:s19] =	stream.linear.scatter [tilespmem:s24], [sflag:$0x2], $0x1400, $0x38;
	[tilespmem:$0x1A400] =	vst v63  }
0x68: {  	_ =	swait.ge [sflag:s25], $0x1400  }
0x69: {  	[sflag:s25] =	ssyncset.done $0x0  }
0x6a: {  	s17 =	rddreg [dreg:$0x13];
	[sflag:s25] =	ssyncadd.s32 $0xFFFFEC00  }
0x6b: {  	[spmem:s17] =	stream.linear.scatter [tilespmem:s24], [sflag:$0x2], $0x1400, $0x38;
	[tilespmem:$0x1A400] =	vst v63  }
0x6c: {  	_ =	swait.ge [sflag:s25], $0x1400  }
0x6d: {  	[sflag:s25] =	ssyncset.done $0x0  }
0x6e: {  	s18 =	rddreg [dreg:$0x3];
	[sflag:s25] =	ssyncadd.s32 $0xFFFFEC00  }
0x6f: {  	[spmem:s18] =	stream.linear.scatter [tilespmem:s24], [sflag:$0x2], $0x1000, $0x38;
	[tilespmem:$0x1A400] =	vst v63  }
0x70: {  	_ =	swait.ge [sflag:s25], $0x1000  }
0x71: {  	[sflag:s25] =	ssyncset.done $0x0  }
0x72: {  	[sflag:s25] =	ssyncadd.s32 $0xFFFFF000  }
0x73: {  	[bflag:$0x0] =	sbarrier.arrive $0xFFFF  }
0x74: {  	s19 =	rddreg [dreg:$0x14]  }
0x75: {  	[tilespmem:s3], [sflag:$0x2] =	stream.linear.gather [hbm4b:s19+s3], $0x1400, $0x38;
	[tilespmem:$0x1A400] =	vst v63  }
0x76: {  	_ =	swait.ge [sflag:s25], $0x1400  }
0x77: {  	[sflag:s25] =	ssyncset.done $0x0  }
0x78: {  	[sflag:s25] =	ssyncadd.s32 $0xFFFFEC00  }
0x79: {  	[spmem:s2] =	stream.indirect.scatter.add.f32 [tilespmem:s28], [sflag:$0x1], $0x80, s3, s26, $0xb8;
	[tilespmem:$0x1A400] =	vst v63  }
0x7a: {  	_ = 	snop  }
0x7b: {  	[spmem:s2] =	stream.indirect.scatter.add.f32 [tilespmem:s28], [sflag:$0x1], $0x80, s26, s26, $0xb8;
	[tilespmem:$0x1A400] =	vst v63  }
0x7c: {  	s17 =	simm.s32 $0x100  }
0x7d: {  	[spmem:s2] =	stream.indirect.scatter.add.f32 [tilespmem:s28], [sflag:$0x1], $0x80, s17, s26, $0xb8;
	[tilespmem:$0x1A400] =	vst v63  }
0x7e: {  	s18 =	simm.s32 $0x180  }
0x7f: {  	[spmem:s2] =	stream.indirect.scatter.add.f32 [tilespmem:s28], [sflag:$0x1], $0x80, s18, s26, $0xb8;
	[tilespmem:$0x1A400] =	vst v63  }
0x80: {  	s19 =	simm.s32 $0x200  }
0x81: {  	[spmem:s2] =	stream.indirect.scatter.add.f32 [tilespmem:s28], [sflag:$0x1], $0x80, s19, s26, $0xb8;
	[tilespmem:$0x1A400] =	vst v63  }
0x82: {  	s16 =	simm.s32 $0x280  }
0x83: {  	[spmem:s2] =	stream.indirect.scatter.add.f32 [tilespmem:s28], [sflag:$0x1], $0x80, s16, s26, $0xb8;
	[tilespmem:$0x1A400] =	vst v63  }
0x84: {  	s16 =	simm.s32 $0x300  }
0x85: {  	[spmem:s2] =	stream.indirect.scatter.add.f32 [tilespmem:s28], [sflag:$0x1], $0x80, s16, s26, $0xb8;
	[tilespmem:$0x1A400] =	vst v63  }
0x86: {  	s16 =	simm.s32 $0x380  }
0x87: {  	[spmem:s2] =	stream.indirect.scatter.add.f32 [tilespmem:s28], [sflag:$0x1], $0x80, s16, s26, $0xb8;
	[tilespmem:$0x1A400] =	vst v63  }
0x88: {  	s16 =	simm.s32 $0x400  }
0x89: {  	[spmem:s2] =	stream.indirect.scatter.add.f32 [tilespmem:s28], [sflag:$0x1], $0x80, s16, s26, $0xb8;
	[tilespmem:$0x1A400] =	vst v63  }
0x8a: {  	s16 =	simm.s32 $0x480  }
0x8b: {  	[spmem:s2] =	stream.indirect.scatter.add.f32 [tilespmem:s28], [sflag:$0x1], $0x80, s16, s26, $0xb8;
	[tilespmem:$0x1A400] =	vst v63  }
0x8c: {  	s16 =	simm.s32 $0x500  }
0x8d: {  	[spmem:s2] =	stream.indirect.scatter.add.f32 [tilespmem:s28], [sflag:$0x1], $0x80, s16, s26, $0xb8;
	[tilespmem:$0x1A400] =	vst v63  }
0x8e: {  	s16 =	simm.s32 $0x580  }
0x8f: {  	[spmem:s2] =	stream.indirect.scatter.add.f32 [tilespmem:s28], [sflag:$0x1], $0x80, s16, s26, $0xb8;
	[tilespmem:$0x1A400] =	vst v63  }
0x90: {  	s16 =	simm.s32 $0x600  }
0x91: {  	[spmem:s2] =	stream.indirect.scatter.add.f32 [tilespmem:s28], [sflag:$0x1], $0x80, s16, s26, $0xb8;
	[tilespmem:$0x1A400] =	vst v63  }
0x92: {  	s16 =	simm.s32 $0x680  }
0x93: {  	[spmem:s2] =	stream.indirect.scatter.add.f32 [tilespmem:s28], [sflag:$0x1], $0x80, s16, s26, $0xb8;
	[tilespmem:$0x1A400] =	vst v63  }
0x94: {  	s16 =	simm.s32 $0x700  }
0x95: {  	[spmem:s2] =	stream.indirect.scatter.add.f32 [tilespmem:s28], [sflag:$0x1], $0x80, s16, s26, $0xb8;
	[tilespmem:$0x1A400] =	vst v63  }
0x96: {  	s16 =	simm.s32 $0x780  }
0x97: {  	[spmem:s2] =	stream.indirect.scatter.add.f32 [tilespmem:s28], [sflag:$0x1], $0x80, s16, s26, $0xb8;
	[tilespmem:$0x1A400] =	vst v63  }
0x98: {  	s16 =	simm.s32 $0x800  }
0x99: {  	[spmem:s2] =	stream.indirect.scatter.add.f32 [tilespmem:s28], [sflag:$0x1], $0x80, s16, s26, $0xb8;
	[tilespmem:$0x1A400] =	vst v63  }
0x9a: {  	s16 =	simm.s32 $0x880  }
0x9b: {  	[spmem:s2] =	stream.indirect.scatter.add.f32 [tilespmem:s28], [sflag:$0x1], $0x80, s16, s26, $0xb8;
	[tilespmem:$0x1A400] =	vst v63  }
0x9c: {  	s16 =	simm.s32 $0x900  }
0x9d: {  	[spmem:s2] =	stream.indirect.scatter.add.f32 [tilespmem:s28], [sflag:$0x1], $0x80, s16, s26, $0xb8;
	[tilespmem:$0x1A400] =	vst v63  }
0x9e: {  	s16 =	simm.s32 $0x980  }
0x9f: {  	[spmem:s2] =	stream.indirect.scatter.add.f32 [tilespmem:s28], [sflag:$0x1], $0x80, s16, s26, $0xb8;
	[tilespmem:$0x1A400] =	vst v63  }
0xa0: {  	s16 =	simm.s32 $0xA00  }
0xa1: {  	[spmem:s2] =	stream.indirect.scatter.add.f32 [tilespmem:s28], [sflag:$0x1], $0x80, s16, s26, $0xb8;
	[tilespmem:$0x1A400] =	vst v63  }
0xa2: {  	s16 =	simm.s32 $0xA80  }
0xa3: {  	[spmem:s2] =	stream.indirect.scatter.add.f32 [tilespmem:s28], [sflag:$0x1], $0x80, s16, s26, $0xb8;
	[tilespmem:$0x1A400] =	vst v63  }
0xa4: {  	_ = 	snop  }
0xa5: {  	[spmem:s2] =	stream.indirect.scatter.add.f32 [tilespmem:s28], [sflag:$0x1], $0x80, s20, s26, $0xb8;
	[tilespmem:$0x1A400] =	vst v63  }
0xa6: {  	_ = 	snop  }
0xa7: {  	[spmem:s2] =	stream.indirect.scatter.add.f32 [tilespmem:s28], [sflag:$0x1], $0x80, s21, s26, $0xb8;
	[tilespmem:$0x1A400] =	vst v63  }
0xa8: {  	_ = 	snop  }
0xa9: {  	[spmem:s2] =	stream.indirect.scatter.add.f32 [tilespmem:s28], [sflag:$0x1], $0x80, s22, s26, $0xb8;
	[tilespmem:$0x1A400] =	vst v63  }
0xaa: {  	_ = 	snop  }
0xab: {  	[spmem:s2] =	stream.indirect.scatter.add.f32 [tilespmem:s28], [sflag:$0x1], $0x80, s23, s26, $0xb8;
	[tilespmem:$0x1A400] =	vst v63  }
0xac: {  	_ = 	snop  }
0xad: {  	[spmem:s2] =	stream.indirect.scatter.add.f32 [tilespmem:s28], [sflag:$0x1], $0x80, s29, s26, $0xb8;
	[tilespmem:$0x1A400] =	vst v63  }
0xae: {  	_ = 	snop  }
0xaf: {  	[spmem:s2] =	stream.indirect.scatter.add.f32 [tilespmem:s28], [sflag:$0x1], $0x80, s30, s26, $0xb8;
	[tilespmem:$0x1A400] =	vst v63  }
0xb0: {  	_ = 	snop  }
0xb1: {  	[spmem:s2] =	stream.indirect.scatter.add.f32 [tilespmem:s28], [sflag:$0x1], $0x80, s31, s26, $0xb8;
	[tilespmem:$0x1A400] =	vst v63  }
0xb2: {  	_ = 	snop  }
0xb3: {  	[spmem:s2] =	stream.indirect.scatter.add.f32 [tilespmem:s28], [sflag:$0x1], $0x80, s1, s26, $0xb8;
	[tilespmem:$0x1A400] =	vst v63  }
0xb4: {  	_ = 	snop  }
0xb5: {  	[spmem:s2] =	stream.indirect.scatter.add.f32 [tilespmem:s28], [sflag:$0x1], $0x80, s0, s26, $0xb8;
	[tilespmem:$0x1A400] =	vst v63  }
0xb6: {  	_ = 	snop  }
0xb7: {  	[spmem:s2] =	stream.indirect.scatter.add.f32 [tilespmem:s28], [sflag:$0x1], $0x80, s5, s26, $0xb8;
	[tilespmem:$0x1A400] =	vst v63  }
0xb8: {  	_ = 	snop  }
0xb9: {  	[spmem:s2] =	stream.indirect.scatter.add.f32 [tilespmem:s28], [sflag:$0x1], $0x80, s6, s26, $0xb8;
	[tilespmem:$0x1A400] =	vst v63  }
0xba: {  	_ = 	snop  }
0xbb: {  	[spmem:s2] =	stream.indirect.scatter.add.f32 [tilespmem:s28], [sflag:$0x1], $0x80, s7, s26, $0xb8;
	[tilespmem:$0x1A400] =	vst v63  }
0xbc: {  	_ = 	snop  }
0xbd: {  	[spmem:s2] =	stream.indirect.scatter.add.f32 [tilespmem:s28], [sflag:$0x1], $0x80, s8, s26, $0xb8;
	[tilespmem:$0x1A400] =	vst v63  }
0xbe: {  	_ = 	snop  }
0xbf: {  	[spmem:s2] =	stream.indirect.scatter.add.f32 [tilespmem:s28], [sflag:$0x1], $0x80, s9, s26, $0xb8;
	[tilespmem:$0x1A400] =	vst v63  }
0xc0: {  	_ = 	snop  }
0xc1: {  	[spmem:s2] =	stream.indirect.scatter.add.f32 [tilespmem:s28], [sflag:$0x1], $0x80, s10, s26, $0xb8;
	[tilespmem:$0x1A400] =	vst v63  }
0xc2: {  	_ = 	snop  }
0xc3: {  	[spmem:s2] =	stream.indirect.scatter.add.f32 [tilespmem:s28], [sflag:$0x1], $0x80, s11, s26, $0xb8;
	[tilespmem:$0x1A400] =	vst v63  }
0xc4: {  	_ = 	snop  }
0xc5: {  	[spmem:s2] =	stream.indirect.scatter.add.f32 [tilespmem:s28], [sflag:$0x1], $0x80, s12, s26, $0xb8;
	[tilespmem:$0x1A400] =	vst v63  }
0xc6: {  	_ = 	snop  }
0xc7: {  	[spmem:s2] =	stream.indirect.scatter.add.f32 [tilespmem:s28], [sflag:$0x1], $0x80, s13, s26, $0xb8;
	[tilespmem:$0x1A400] =	vst v63  }
0xc8: {  	_ =	swait.ge [sflag:s14], $0x4000  }
0xc9: {  	s16 =	simm.s32 $0x27;
	[sflag:s14] =	ssyncset.done $0x0  }
.LBB2_6:
0xca: {  	p0 =	sne.s32 s16, $0x1;
	s16 =	sadd.s32 $0xFFFFFFFF, s16;
	[sflag:s14] =	ssyncadd.s32 $0xFFFFC000  }
.Ltmp2:
0xcb: {  	(pc) =	sbr.rel @p0 .LBB2_6-.Ltmp2, $3  }
0xcc: {  	_ =	sdelay $0x1  }
0xcd: {  	_ =	swait.ge [sflag:s14], $0x4000  }
0xce: {  	[sflag:s14] =	ssyncset.done $0x0  }
0xcf: {  	[sflag:s14] =	ssyncadd.s32 $0xFFFFC000;
	s16 =	rddreg [dreg:$0x15]  }
0xd0: {  	[tilespmem:s3], [sflag:$0x2] =	stream.linear.gather [hbm4b:s16+s3], $0x1400, $0x38;
	[tilespmem:$0x1A400] =	vst v63  }
0xd1: {  	_ =	swait.ge [sflag:s25], $0x1400  }
0xd2: {  	[sflag:s25] =	ssyncset.done $0x0  }
0xd3: {  	[sflag:s25] =	ssyncadd.s32 $0xFFFFEC00  }
0xd4: {  	[spmem:s2] =	stream.indirect.scatter.add.f32 [tilespmem:s28], [sflag:$0x1], $0x80, s3, s26, $0xb8;
	[tilespmem:$0x1A400] =	vst v63  }
0xd5: {  	_ = 	snop  }
0xd6: {  	[spmem:s2] =	stream.indirect.scatter.add.f32 [tilespmem:s28], [sflag:$0x1], $0x80, s26, s26, $0xb8;
	[tilespmem:$0x1A400] =	vst v63  }
0xd7: {  	_ = 	snop  }
0xd8: {  	[spmem:s2] =	stream.indirect.scatter.add.f32 [tilespmem:s28], [sflag:$0x1], $0x80, s17, s26, $0xb8;
	[tilespmem:$0x1A400] =	vst v63  }
0xd9: {  	_ = 	snop  }
0xda: {  	[spmem:s2] =	stream.indirect.scatter.add.f32 [tilespmem:s28], [sflag:$0x1], $0x80, s18, s26, $0xb8;
	[tilespmem:$0x1A400] =	vst v63  }
0xdb: {  	_ = 	snop  }
0xdc: {  	[spmem:s2] =	stream.indirect.scatter.add.f32 [tilespmem:s28], [sflag:$0x1], $0x80, s19, s26, $0xb8;
	[tilespmem:$0x1A400] =	vst v63  }
0xdd: {  	s18 =	simm.s32 $0x280  }
0xde: {  	[spmem:s2] =	stream.indirect.scatter.add.f32 [tilespmem:s28], [sflag:$0x1], $0x80, s18, s26, $0xb8;
	[tilespmem:$0x1A400] =	vst v63  }
0xdf: {  	s19 =	simm.s32 $0x300  }
0xe0: {  	[spmem:s2] =	stream.indirect.scatter.add.f32 [tilespmem:s28], [sflag:$0x1], $0x80, s19, s26, $0xb8;
	[tilespmem:$0x1A400] =	vst v63  }
0xe1: {  	s17 =	simm.s32 $0x380  }
0xe2: {  	[spmem:s2] =	stream.indirect.scatter.add.f32 [tilespmem:s28], [sflag:$0x1], $0x80, s17, s26, $0xb8;
	[tilespmem:$0x1A400] =	vst v63  }
0xe3: {  	s18 =	simm.s32 $0x400  }
0xe4: {  	[spmem:s2] =	stream.indirect.scatter.add.f32 [tilespmem:s28], [sflag:$0x1], $0x80, s18, s26, $0xb8;
	[tilespmem:$0x1A400] =	vst v63  }
0xe5: {  	s19 =	simm.s32 $0x480  }
0xe6: {  	[spmem:s2] =	stream.indirect.scatter.add.f32 [tilespmem:s28], [sflag:$0x1], $0x80, s19, s26, $0xb8;
	[tilespmem:$0x1A400] =	vst v63  }
0xe7: {  	s17 =	simm.s32 $0x500  }
0xe8: {  	[spmem:s2] =	stream.indirect.scatter.add.f32 [tilespmem:s28], [sflag:$0x1], $0x80, s17, s26, $0xb8;
	[tilespmem:$0x1A400] =	vst v63  }
0xe9: {  	s18 =	simm.s32 $0x580  }
0xea: {  	[spmem:s2] =	stream.indirect.scatter.add.f32 [tilespmem:s28], [sflag:$0x1], $0x80, s18, s26, $0xb8;
	[tilespmem:$0x1A400] =	vst v63  }
0xeb: {  	s19 =	simm.s32 $0x600  }
0xec: {  	[spmem:s2] =	stream.indirect.scatter.add.f32 [tilespmem:s28], [sflag:$0x1], $0x80, s19, s26, $0xb8;
	[tilespmem:$0x1A400] =	vst v63  }
0xed: {  	s17 =	simm.s32 $0x680  }
0xee: {  	[spmem:s2] =	stream.indirect.scatter.add.f32 [tilespmem:s28], [sflag:$0x1], $0x80, s17, s26, $0xb8;
	[tilespmem:$0x1A400] =	vst v63  }
0xef: {  	s18 =	simm.s32 $0x700  }
0xf0: {  	[spmem:s2] =	stream.indirect.scatter.add.f32 [tilespmem:s28], [sflag:$0x1], $0x80, s18, s26, $0xb8;
	[tilespmem:$0x1A400] =	vst v63  }
0xf1: {  	s19 =	simm.s32 $0x780  }
0xf2: {  	[spmem:s2] =	stream.indirect.scatter.add.f32 [tilespmem:s28], [sflag:$0x1], $0x80, s19, s26, $0xb8;
	[tilespmem:$0x1A400] =	vst v63  }
0xf3: {  	s17 =	simm.s32 $0x800  }
0xf4: {  	[spmem:s2] =	stream.indirect.scatter.add.f32 [tilespmem:s28], [sflag:$0x1], $0x80, s17, s26, $0xb8;
	[tilespmem:$0x1A400] =	vst v63  }
0xf5: {  	s18 =	simm.s32 $0x880  }
0xf6: {  	[spmem:s2] =	stream.indirect.scatter.add.f32 [tilespmem:s28], [sflag:$0x1], $0x80, s18, s26, $0xb8;
	[tilespmem:$0x1A400] =	vst v63  }
0xf7: {  	s19 =	simm.s32 $0x900  }
0xf8: {  	[spmem:s2] =	stream.indirect.scatter.add.f32 [tilespmem:s28], [sflag:$0x1], $0x80, s19, s26, $0xb8;
	[tilespmem:$0x1A400] =	vst v63  }
0xf9: {  	s17 =	simm.s32 $0x980  }
0xfa: {  	[spmem:s2] =	stream.indirect.scatter.add.f32 [tilespmem:s28], [sflag:$0x1], $0x80, s17, s26, $0xb8;
	[tilespmem:$0x1A400] =	vst v63  }
0xfb: {  	s18 =	simm.s32 $0xA00  }
0xfc: {  	[spmem:s2] =	stream.indirect.scatter.add.f32 [tilespmem:s28], [sflag:$0x1], $0x80, s18, s26, $0xb8;
	[tilespmem:$0x1A400] =	vst v63  }
0xfd: {  	s19 =	simm.s32 $0xA80  }
0xfe: {  	[spmem:s2] =	stream.indirect.scatter.add.f32 [tilespmem:s28], [sflag:$0x1], $0x80, s19, s26, $0xb8;
	[tilespmem:$0x1A400] =	vst v63  }
0xff: {  	_ = 	snop  }
0x100: {  	[spmem:s2] =	stream.indirect.scatter.add.f32 [tilespmem:s28], [sflag:$0x1], $0x80, s20, s26, $0xb8;
	[tilespmem:$0x1A400] =	vst v63  }
0x101: {  	_ = 	snop  }
0x102: {  	[spmem:s2] =	stream.indirect.scatter.add.f32 [tilespmem:s28], [sflag:$0x1], $0x80, s21, s26, $0xb8;
	[tilespmem:$0x1A400] =	vst v63  }
0x103: {  	_ = 	snop  }
0x104: {  	[spmem:s2] =	stream.indirect.scatter.add.f32 [tilespmem:s28], [sflag:$0x1], $0x80, s22, s26, $0xb8;
	[tilespmem:$0x1A400] =	vst v63  }
0x105: {  	_ = 	snop  }
0x106: {  	[spmem:s2] =	stream.indirect.scatter.add.f32 [tilespmem:s28], [sflag:$0x1], $0x80, s23, s26, $0xb8;
	[tilespmem:$0x1A400] =	vst v63  }
0x107: {  	_ = 	snop  }
0x108: {  	[spmem:s2] =	stream.indirect.scatter.add.f32 [tilespmem:s28], [sflag:$0x1], $0x80, s29, s26, $0xb8;
	[tilespmem:$0x1A400] =	vst v63  }
0x109: {  	_ = 	snop  }
0x10a: {  	[spmem:s2] =	stream.indirect.scatter.add.f32 [tilespmem:s28], [sflag:$0x1], $0x80, s30, s26, $0xb8;
	[tilespmem:$0x1A400] =	vst v63  }
0x10b: {  	_ = 	snop  }
0x10c: {  	[spmem:s2] =	stream.indirect.scatter.add.f32 [tilespmem:s28], [sflag:$0x1], $0x80, s31, s26, $0xb8;
	[tilespmem:$0x1A400] =	vst v63  }
0x10d: {  	_ = 	snop  }
0x10e: {  	[spmem:s2] =	stream.indirect.scatter.add.f32 [tilespmem:s28], [sflag:$0x1], $0x80, s1, s26, $0xb8;
	[tilespmem:$0x1A400] =	vst v63  }
0x10f: {  	_ = 	snop  }
0x110: {  	[spmem:s2] =	stream.indirect.scatter.add.f32 [tilespmem:s28], [sflag:$0x1], $0x80, s0, s26, $0xb8;
	[tilespmem:$0x1A400] =	vst v63  }
0x111: {  	_ = 	snop  }
0x112: {  	[spmem:s2] =	stream.indirect.scatter.add.f32 [tilespmem:s28], [sflag:$0x1], $0x80, s5, s26, $0xb8;
	[tilespmem:$0x1A400] =	vst v63  }
0x113: {  	_ = 	snop  }
0x114: {  	[spmem:s2] =	stream.indirect.scatter.add.f32 [tilespmem:s28], [sflag:$0x1], $0x80, s6, s26, $0xb8;
	[tilespmem:$0x1A400] =	vst v63  }
0x115: {  	_ = 	snop  }
0x116: {  	[spmem:s2] =	stream.indirect.scatter.add.f32 [tilespmem:s28], [sflag:$0x1], $0x80, s7, s26, $0xb8;
	[tilespmem:$0x1A400] =	vst v63  }
0x117: {  	_ = 	snop  }
0x118: {  	[spmem:s2] =	stream.indirect.scatter.add.f32 [tilespmem:s28], [sflag:$0x1], $0x80, s8, s26, $0xb8;
	[tilespmem:$0x1A400] =	vst v63  }
0x119: {  	_ = 	snop  }
0x11a: {  	[spmem:s2] =	stream.indirect.scatter.add.f32 [tilespmem:s28], [sflag:$0x1], $0x80, s9, s26, $0xb8;
	[tilespmem:$0x1A400] =	vst v63  }
0x11b: {  	_ = 	snop  }
0x11c: {  	[spmem:s2] =	stream.indirect.scatter.add.f32 [tilespmem:s28], [sflag:$0x1], $0x80, s10, s26, $0xb8;
	[tilespmem:$0x1A400] =	vst v63  }
0x11d: {  	_ = 	snop  }
0x11e: {  	[spmem:s2] =	stream.indirect.scatter.add.f32 [tilespmem:s28], [sflag:$0x1], $0x80, s11, s26, $0xb8;
	[tilespmem:$0x1A400] =	vst v63  }
0x11f: {  	_ = 	snop  }
0x120: {  	[spmem:s2] =	stream.indirect.scatter.add.f32 [tilespmem:s28], [sflag:$0x1], $0x80, s12, s26, $0xb8;
	[tilespmem:$0x1A400] =	vst v63  }
0x121: {  	_ = 	snop  }
0x122: {  	[spmem:s2] =	stream.indirect.scatter.add.f32 [tilespmem:s28], [sflag:$0x1], $0x80, s13, s26, $0xb8;
	[tilespmem:$0x1A400] =	vst v63  }
0x123: {  	_ =	swait.ge [sflag:s14], $0x4000  }
0x124: {  	s16 =	simm.s32 $0x27;
	[sflag:s14] =	ssyncset.done $0x0  }
.LBB2_8:
0x125: {  	p0 =	sne.s32 s16, $0x1;
	s16 =	sadd.s32 $0xFFFFFFFF, s16;
	[sflag:s14] =	ssyncadd.s32 $0xFFFFC000  }
.Ltmp3:
0x126: {  	(pc) =	sbr.rel @p0 .LBB2_8-.Ltmp3, $3  }
0x127: {  	_ =	sdelay $0x1  }
0x128: {  	_ =	swait.ge [sflag:s14], $0x4000  }
0x129: {  	[sflag:s14] =	ssyncset.done $0x0  }
0x12a: {  	[sflag:s14] =	ssyncadd.s32 $0xFFFFC000;
	s16 =	stileid.u32  }
0x12b: {  	s16 =	sshll.u32 s16, $0x6;
	[bflag:$0x0] =	sbarrier.arrive $0xFFFF  }
0x12c: {  	s17 =	sshrl.u32 s4, $0x3;
	s16 =	sor.u32 $0x1C02, s16;
	s18 =	rddreg [dreg:$0x4]  }
0x12d: {  	[hbm:s18], [sflag:s16] =	dma.local [spmem:s17], $0x2780  }
0x12e: {  	_ =	swait.ge [sflag:s25], $0x2780  }
0x12f: {  	s15 =	sadd.s32 $0x1, s15;
	s19 =	rddreg [dreg:$0x5]  }
0x130: {  	p0 =	sne.s32 s15, s19  }
.Ltmp4:
0x131: {  	_ = 	snop;
	(pc) =	sbr.rel @p0 .LBB2_1-.Ltmp4, $3  }
0x132: {  	_ =	sdelay $0x1  }
0x133: {  	[sflag:s25] =	ssyncset.done $0x0  }
0x134: {  	[sflag:s25] =	ssyncadd.s32 $0xFFFFD880  }
0x135: {  	_ =	sfence.sel $0x180000  }
0x136: {  	[bflag:$0x0] =	sbarrier.arrive $0xFFFF  }
0x137: {  	_ =	strace $0x90000047  }
0x138: {  	s0 =	stileid.u32;
	[bflag:$0x2] =	sbarrier.arrive $0xFFFF  }
0x139: {  	p0 =	sne.s32 s0, $0x0;
	s0 =	rddreg [dreg:$0x2]  }
0x13a: {  	s0 =	sadd.s32 @!p0 $0x100000, s0  }
0x13b: {  	[sflag:s0] =	ssyncadd.tile.s32 @!p0 $0x1;
	_ =	shalt  }
.Lfunc_end2:
_tile_overlayer_lowered:
.L_overlay_start_2:
0x13c: {  	(tag) =	ssettag $0x2  }
0x13d: {  	s0 =	rddreg [dreg:$0x0];
	s2 =	stileid.u32  }
0x13e: {  	s1 =	rddreg [dreg:$0x1];
	p0 =	sne.s32 s2, $0x0  }
0x13f: {  	s3 =	rddreg [dreg:$0x2];
	[bflag:$0x3] =	sbarrier.arrive $0xFFFF;
	s2 =	simm.s32 @!p0 $0x1C02  }
0x140: {  	[timem:s3], [sflag:s2] =	dma.local @!p0 [hbm:s0], s1  }
0x141: {  	s0 =	simm.s32 @!p0 $0x2  }
0x142: {  	_ =	swait.ge @!p0 [sflag:s0], s1  }
0x143: {  	s1 =	ssub.s32 @!p0 $0x0, s1;
	[sflag:s0] =	ssyncset.done @!p0 $0x0  }
0x144: {  	[sflag:s0] =	ssyncadd.s32 @!p0 s1  }
0x145: {  	[bflag:$0x3] =	sbarrier.arrive $0xFFFF  }
0x146: {  	_ =	shalt  }

</sc_bundles>
